<compile_context>
chip_gen: v7x
topology: tpu7x:2x2x1
jax: 0.10.2.dev20260603
libtpu: 0.0.44.dev20260713+nightly
codegen_flags: <defaults>
</compile_context>

<pallas_src>
import functools

import jax
import jax.numpy as jnp
from jax import lax
from jax.experimental import pallas as pl
from jax.experimental.pallas import tpu as pltpu
from jax.experimental.pallas import tpu_sc as plsc

N = 10000
E = 320000
F = 128
NRBF = 50
CUTOFF = 10.0

NC = 2
NS = 16
NW = NC * NS
K = 80
EPT = E // NW
NCH = EPT // K
NPAD = 10240
NPT = NPAD // NW
NCHN = NPT // K
RPT = NPAD // NS
RZ = 160


BE = 3200


def _filter_body(ea_ref, ew_ref, fw1t_ref, fb1_ref, fw2t_ref, fb2_ref, wc_ref):
    t = jnp.tanh(
        jnp.dot(ea_ref[...], fw1t_ref[...], preferred_element_type=jnp.float32)
        + fb1_ref[...]
    )
    w = jnp.dot(t, fw2t_ref[...], preferred_element_type=jnp.float32) + fb2_ref[...]
    ew = ew_ref[...]
    c = 0.5 * (jnp.cos(jnp.pi * ew / CUTOFF) + 1.0)
    c = jnp.where(ew < CUTOFF, c, 0.0)
    wc_ref[...] = w * c


def _filter_call(edge_attr, ew2, fw1t, fb1r, fw2t, fb2r):
    return pl.pallas_call(
        _filter_body,
        grid=(E // BE,),
        in_specs=[
            pl.BlockSpec((BE, NRBF), lambda i: (i, 0)),
            pl.BlockSpec((BE, 1), lambda i: (i, 0)),
            pl.BlockSpec((NRBF, F), lambda i: (0, 0)),
            pl.BlockSpec((1, F), lambda i: (0, 0)),
            pl.BlockSpec((F, F), lambda i: (0, 0)),
            pl.BlockSpec((1, F), lambda i: (0, 0)),
        ],
        out_specs=pl.BlockSpec((BE, F), lambda i: (i, 0)),
        out_shape=jax.ShapeDtypeStruct((E, F), jnp.float32),
    )(edge_attr, ew2, fw1t, fb1r, fw2t, fb2r)


BN = 2000


def _node_body(x_ref, widx_ref, lin1t_ref, sw2_ref, h_ref, coef_ref):
    h_ref[...] = jnp.dot(
        x_ref[...], lin1t_ref[...], preferred_element_type=jnp.float32
    )
    wi = widx_ref[...]
    oh = (wi == lax.broadcasted_iota(jnp.int32, (1, 3), 1)).astype(jnp.float32)
    coef_ref[...] = jnp.dot(oh, sw2_ref[...], preferred_element_type=jnp.float32)


def _node_call(x, widx2, lin1t, sw2):
    return pl.pallas_call(
        _node_body,
        grid=(N // BN,),
        in_specs=[
            pl.BlockSpec((BN, F), lambda i: (i, 0)),
            pl.BlockSpec((BN, 1), lambda i: (i, 0)),
            pl.BlockSpec((F, F), lambda i: (0, 0)),
            pl.BlockSpec((3, F), lambda i: (0, 0)),
        ],
        out_specs=[
            pl.BlockSpec((BN, F), lambda i: (i, 0)),
            pl.BlockSpec((BN, F), lambda i: (i, 0)),
        ],
        out_shape=[
            jax.ShapeDtypeStruct((N, F), jnp.float32),
            jax.ShapeDtypeStruct((N, F), jnp.float32),
        ],
    )(x, widx2, lin1t, sw2)


def _sc_body(h_hbm, wc_hbm, src_hbm, dst_hbm, coefn_hbm, srcn_hbm, dstn_hbm,
             out_hbm, idx_v, dst_v, rows_v, w_v, zero_v, agg_sh, gsem):
    cid = lax.axis_index("c")
    sid = lax.axis_index("s")
    wid = cid * NS + sid

    zeros16 = jnp.zeros((16,), jnp.float32)

    def _zrow(r, carry):
        for c8 in range(F // 16):
            zero_v[r, pl.ds(c8 * 16, 16)] = zeros16
        return carry

    lax.fori_loop(0, RZ, _zrow, 0)
    for j in range(RPT // RZ):
        pltpu.sync_copy(zero_v, agg_sh.at[pl.ds(sid * RPT + j * RZ, RZ)])
    plsc.subcore_barrier()

    def _chunk(src_ref, dst_ref, w_ref, off):
        pltpu.sync_copy(src_ref.at[pl.ds(off, K)], idx_v)
        pltpu.sync_copy(dst_ref.at[pl.ds(off, K)], dst_v)
        pltpu.sync_copy(w_ref.at[pl.ds(off, K)], w_v)
        pltpu.async_copy(h_hbm.at[idx_v], rows_v, gsem).wait()

        def _mrow(r, carry):
            for c8 in range(F // 16):
                s = pl.ds(c8 * 16, 16)
                w_v[r, s] = w_v[r, s] * rows_v[r, s]
            return carry

        lax.fori_loop(0, K, _mrow, 0)
        pltpu.sync_copy(w_v, agg_sh.at[dst_v], add=True)

    ebase = wid * EPT

    def _echunk(c, carry):
        _chunk(src_hbm, dst_hbm, wc_hbm, ebase + c * K)
        return carry

    lax.fori_loop(0, NCH, _echunk, 0)

    nbase = wid * NPT

    def _nchunk(c, carry):
        _chunk(srcn_hbm, dstn_hbm, coefn_hbm, nbase + c * K)
        return carry

    lax.fori_loop(0, NCHN, _nchunk, 0)

    plsc.subcore_barrier()
    pltpu.sync_copy(agg_sh.at[pl.ds(sid * RPT, RPT)],
                    out_hbm.at[cid, pl.ds(sid * RPT, RPT)])


_sc_call = functools.partial(
    pl.kernel,
    mesh=plsc.VectorSubcoreMesh(core_axis_name="c", subcore_axis_name="s"),
    out_type=jax.ShapeDtypeStruct((NC, NPAD, F), jnp.float32),
    scratch_types=[
        pltpu.VMEM((K,), jnp.int32),
        pltpu.VMEM((K,), jnp.int32),
        pltpu.VMEM((K, F), jnp.float32),
        pltpu.VMEM((K, F), jnp.float32),
        pltpu.VMEM((RZ, F), jnp.float32),
        pltpu.VMEM_SHARED((NPAD, F), jnp.float32),
        pltpu.SemaphoreType.DMA,
    ],
)(_sc_body)


BP = 1024


def _post_body(agg_ref, lin2t_ref, lin2b_ref, lint_ref, linb_ref, out_ref):
    hm = agg_ref[0] + agg_ref[1]
    h2 = jnp.dot(hm, lin2t_ref[...], preferred_element_type=jnp.float32)
    h2 = jnp.tanh(h2 + lin2b_ref[...])
    out_ref[...] = (
        jnp.dot(h2, lint_ref[...], preferred_element_type=jnp.float32)
        + linb_ref[...]
    )


def _post_call(agg2, lin2t, lin2br, lint, linbr):
    return pl.pallas_call(
        _post_body,
        grid=(NPAD // BP,),
        in_specs=[
            pl.BlockSpec((NC, BP, F), lambda i: (0, i, 0)),
            pl.BlockSpec((F, F), lambda i: (0, 0)),
            pl.BlockSpec((1, F), lambda i: (0, 0)),
            pl.BlockSpec((F, F), lambda i: (0, 0)),
            pl.BlockSpec((1, F), lambda i: (0, 0)),
        ],
        out_specs=pl.BlockSpec((BP, F), lambda i: (i, 0)),
        out_shape=jax.ShapeDtypeStruct((NPAD, F), jnp.float32),
    )(agg2, lin2t, lin2br, lint, linbr)


def kernel(x, edge_index, edge_weight, edge_attr, atom_types, seq_neighs,
           fw1, fb1, fw2, fb2, lin1_w, seq_w, lin2_w, lin2_b, lin_w, lin_b):
    src = edge_index[0]
    dst = edge_index[1]
    widx2 = (seq_neighs[1] - seq_neighs[0] + 1).reshape(N, 1)
    sw2 = seq_w + seq_w[1][None, :]

    wc = _filter_call(edge_attr, edge_weight.reshape(E, 1),
                      fw1.T, fb1.reshape(1, F), fw2.T, fb2.reshape(1, F))
    h, coefn = _node_call(x, widx2, lin1_w.T, sw2)

    coefn_p = jnp.pad(coefn, ((0, NPAD - N), (0, 0)))
    srcn_p = jnp.pad(atom_types, (0, NPAD - N))
    dstn_p = jnp.pad(seq_neighs[0], (0, NPAD - N))

    agg2 = _sc_call(h, wc, src, dst, coefn_p, srcn_p, dstn_p)

    outp = _post_call(agg2, lin2_w.T, lin2_b.reshape(1, F),
                      lin_w.T, lin_b.reshape(1, F))
    return outp[:N]

# --- scband reference (transcript-rebuilt; emitter-appended) ---
"""Pipeline reference for scband-standard-sch-net-31559419691086 (READ-ONLY COPY).

The authoritative reference and input builder live on the scoring server;
editing this copy changes nothing except your own understanding.
"""

import jax, jax.numpy as jnp
import numpy as np

N = 10000
E = 320000
F = 128      # in_channels / hidden_channels
NF = 128     # num_filters
NRBF = 50
CUTOFF = 10.0


def _xavier(key, shape):
    fan_out, fan_in = shape[0], shape[1]
    lim = float(np.sqrt(6.0 / (fan_in + fan_out)))
    return jax.random.uniform(key, shape, dtype=jnp.float32, minval=-lim, maxval=lim)


def setup_inputs(seed: int = 0) -> dict:
    key = jax.random.key(seed)
    ks = jax.random.split(key, 16)
    x = jax.random.normal(ks[0], (N, F), dtype=jnp.float32)
    edge_index = jax.random.randint(ks[1], (2, E), 0, N, dtype=jnp.int32)
    edge_weight = jax.random.uniform(ks[2], (E,), dtype=jnp.float32) * CUTOFF
    edge_attr = jax.random.normal(ks[3], (E, NRBF), dtype=jnp.float32)
    atom_types = jax.random.randint(ks[4], (N,), 0, N, dtype=jnp.int32)
    # sequence neighbors: (i, i +/- 1) so that diff(seq_neighs)+1 indexes weight rows {0,1,2}
    row0 = jnp.arange(N, dtype=jnp.int32)
    delta = jax.random.randint(ks[5], (N,), -1, 2, dtype=jnp.int32)
    row1 = jnp.clip(row0 + delta, 0, N - 1)
    seq_neighs = jnp.stack([row0, row1], axis=0)
    # learned parameters (filter network: Linear(NRBF->NF) -> tanh -> Linear(NF->NF))
    fw1 = _xavier(ks[6], (NF, NRBF)); fb1 = jnp.zeros((NF,), jnp.float32)
    fw2 = _xavier(ks[7], (NF, NF)); fb2 = jnp.zeros((NF,), jnp.float32)
    lin1_w = _xavier(ks[8], (NF, F))          # CFConv.lin1 (no bias)
    seq_w = _xavier(ks[9], (3, NF))           # SeqConv.weight
    lin2_w = _xavier(ks[10], (F, NF)); lin2_b = jnp.zeros((F,), jnp.float32)  # CFConv.lin2
    lin_w = _xavier(ks[11], (F, F)); lin_b = jnp.zeros((F,), jnp.float32)     # InteractionBlock.lin
    return {
        'x': x, 'edge_index': edge_index, 'edge_weight': edge_weight,
        'edge_attr': edge_attr, 'atom_types': atom_types, 'seq_neighs': seq_neighs,
        'fw1': fw1, 'fb1': fb1, 'fw2': fw2, 'fb2': fb2,
        'lin1_w': lin1_w, 'seq_w': seq_w, 'lin2_w': lin2_w, 'lin2_b': lin2_b,
        'lin_w': lin_w, 'lin_b': lin_b,
    }


def reference(x, edge_index, edge_weight, edge_attr, atom_types, seq_neighs,
              fw1, fb1, fw2, fb2, lin1_w, seq_w, lin2_w, lin2_b, lin_w, lin_b):
    n = x.shape[0]
    # cosine cutoff envelope
    C = 0.5 * (jnp.cos(jnp.pi * edge_weight / CUTOFF) + 1.0) * (edge_weight < CUTOFF).astype(x.dtype)
    # filter network on rbf-expanded distances
    W = jnp.tanh(edge_attr @ fw1.T + fb1) @ fw2.T + fb2
    W = W * C[:, None]
    # lin1 (no bias)
    h = x @ lin1_w.T
    # message passing: message = x_j * W, aggregated with scatter-add at dst
    src = edge_index[0]
    dst = edge_index[1]
    msg = h[src] * W
    agg = jnp.zeros((n, h.shape[1]), dtype=h.dtype).at[dst].add(msg)
    # SeqConv
    seq_types = jnp.take(atom_types, seq_neighs, axis=0)       # (2, N)
    seq_feats = jnp.take(h, seq_types, axis=0)                 # (2, N, NF)
    widx = seq_neighs[1] - seq_neighs[0] + 1                   # in {0,1,2}
    neighs_interaction = seq_w[widx] * seq_feats[0]            # (N, NF)
    scat = jnp.zeros((n, h.shape[1]), dtype=h.dtype).at[seq_neighs[0]].add(neighs_interaction)
    self_interaction = seq_w[1] * jnp.take(h, atom_types, axis=0)
    h = agg + scat + self_interaction
    # lin2
    h = h @ lin2_w.T + lin2_b
    # InteractionBlock: activation + lin
    h = jnp.tanh(h)
    out = h @ lin_w.T + lin_b
    return out

if __name__ == "__main__":
    import jax
    _d = setup_inputs()
    print(jax.jit(kernel)(*tuple(_d.values())))

</pallas_src>

<mosaic_0001>
#map = affine_map<(d0, d1) -> (0, 0)>
#map1 = affine_map<(d0, d1) -> (0)>
#map2 = affine_map<(d0, d1) -> (0, 0, 0)>
module attributes {stable_mosaic.version = 14 : i64} {
  func.func @_sc_body(%arg0: i32, %arg1: i32, %arg2: memref<10000x128xf32, #tpu.memory_space<hbm>>, %arg3: memref<320000x128xf32, #tpu.memory_space<hbm>>, %arg4: memref<320000xi32, #tpu.memory_space<hbm>>, %arg5: memref<320000xi32, #tpu.memory_space<hbm>>, %arg6: memref<10240x128xf32, #tpu.memory_space<hbm>>, %arg7: memref<10240xi32, #tpu.memory_space<hbm>>, %arg8: memref<10240xi32, #tpu.memory_space<hbm>>, %arg9: memref<2x10240x128xf32, #tpu.memory_space<hbm>>, %arg10: memref<80xi32, #tpu.memory_space<vmem>>, %arg11: memref<80xi32, #tpu.memory_space<vmem>>, %arg12: memref<80x128xf32, #tpu.memory_space<vmem>>, %arg13: memref<80x128xf32, #tpu.memory_space<vmem>>, %arg14: memref<160x128xf32, #tpu.memory_space<vmem>>, %arg15: memref<10240x128xf32, #tpu.memory_space<vmem_shared>>, %arg16: memref<!tpu.dma_semaphore, #tpu.memory_space<semaphore_mem>>) attributes {dimension_semantics = [#tpu.dimension_semantics<core_parallel>, #tpu.dimension_semantics<subcore_parallel>], iteration_bounds = array<i64: 2, 16>, scalar_prefetch = 0 : i64, scratch_operands = 7 : i64, tpu.core_type = #tpu.core_type<sc_vector_subcore>, window_params = [{transform_indices = #map}, {transform_indices = #map}, {transform_indices = #map1}, {transform_indices = #map1}, {transform_indices = #map}, {transform_indices = #map1}, {transform_indices = #map1}, {transform_indices = #map2}]} {
    %mul3A = arith.constant 16 : i32
    %mul3A_0 = arith.muli %arg0, %mul3A : i32
    %add3A = arith.addi %mul3A_0, %arg1 : i32
    %broadcast_in_dim3A = arith.constant 0.000000e+00 : f32
    %broadcast_in_dim3A_1 = vector.broadcast %broadcast_in_dim3A : f32 to vector<16xf32>
    %scan3A = arith.constant 0 : i32
    %scan3A_2 = arith.constant 0 : i32
    %scan3A_3 = arith.constant 160 : i32
    %scan3A_4 = arith.addi %scan3A_2, %scan3A_3 : i32
    %scan3A_5 = arith.constant 1 : i32
    scf.for %scan3A_44 = %scan3A_2 to %scan3A_4 step %scan3A_5  : i32 {
      %swap3A = arith.index_cast %scan3A_44 : i32 to index
      %swap3A_45 = arith.constant 0 : index
      %swap3A_46 = tpu.vector_load %arg14[%swap3A, %swap3A_45] {strides = array<i32>} : memref<160x128xf32, #tpu.memory_space<vmem>>, vector<1x16xf32>,
      %swap3A_47 = vector.shape_cast %swap3A_46 : vector<1x16xf32> to vector<16xf32>
      %swap3A_48 = vector.shape_cast %broadcast_in_dim3A_1 : vector<16xf32> to vector<1x16xf32>
      tpu.vector_store %arg14[%swap3A, %swap3A_45], %swap3A_48 {strides = array<i32>} : memref<160x128xf32, #tpu.memory_space<vmem>>, vector<1x16xf32>,
      %swap3A_49 = arith.index_cast %scan3A_44 : i32 to index
      %swap3A_50 = arith.constant 16 : index
      %swap3A_51 = tpu.vector_load %arg14[%swap3A_49, %swap3A_50] {strides = array<i32>} : memref<160x128xf32, #tpu.memory_space<vmem>>, vector<1x16xf32>,
      %swap3A_52 = vector.shape_cast %swap3A_51 : vector<1x16xf32> to vector<16xf32>
      %swap3A_53 = vector.shape_cast %broadcast_in_dim3A_1 : vector<16xf32> to vector<1x16xf32>
      tpu.vector_store %arg14[%swap3A_49, %swap3A_50], %swap3A_53 {strides = array<i32>} : memref<160x128xf32, #tpu.memory_space<vmem>>, vector<1x16xf32>,
      %swap3A_54 = arith.index_cast %scan3A_44 : i32 to index
      %swap3A_55 = arith.constant 32 : index
      %swap3A_56 = tpu.vector_load %arg14[%swap3A_54, %swap3A_55] {strides = array<i32>} : memref<160x128xf32, #tpu.memory_space<vmem>>, vector<1x16xf32>,
      %swap3A_57 = vector.shape_cast %swap3A_56 : vector<1x16xf32> to vector<16xf32>
      %swap3A_58 = vector.shape_cast %broadcast_in_dim3A_1 : vector<16xf32> to vector<1x16xf32>
      tpu.vector_store %arg14[%swap3A_54, %swap3A_55], %swap3A_58 {strides = array<i32>} : memref<160x128xf32, #tpu.memory_space<vmem>>, vector<1x16xf32>,
      %swap3A_59 = arith.index_cast %scan3A_44 : i32 to index
      %swap3A_60 = arith.constant 48 : index
      %swap3A_61 = tpu.vector_load %arg14[%swap3A_59, %swap3A_60] {strides = array<i32>} : memref<160x128xf32, #tpu.memory_space<vmem>>, vector<1x16xf32>,
      %swap3A_62 = vector.shape_cast %swap3A_61 : vector<1x16xf32> to vector<16xf32>
      %swap3A_63 = vector.shape_cast %broadcast_in_dim3A_1 : vector<16xf32> to vector<1x16xf32>
      tpu.vector_store %arg14[%swap3A_59, %swap3A_60], %swap3A_63 {strides = array<i32>} : memref<160x128xf32, #tpu.memory_space<vmem>>, vector<1x16xf32>,
      %swap3A_64 = arith.index_cast %scan3A_44 : i32 to index
      %swap3A_65 = arith.constant 64 : index
      %swap3A_66 = tpu.vector_load %arg14[%swap3A_64, %swap3A_65] {strides = array<i32>} : memref<160x128xf32, #tpu.memory_space<vmem>>, vector<1x16xf32>,
      %swap3A_67 = vector.shape_cast %swap3A_66 : vector<1x16xf32> to vector<16xf32>
      %swap3A_68 = vector.shape_cast %broadcast_in_dim3A_1 : vector<16xf32> to vector<1x16xf32>
      tpu.vector_store %arg14[%swap3A_64, %swap3A_65], %swap3A_68 {strides = array<i32>} : memref<160x128xf32, #tpu.memory_space<vmem>>, vector<1x16xf32>,
      %swap3A_69 = arith.index_cast %scan3A_44 : i32 to index
      %swap3A_70 = arith.constant 80 : index
      %swap3A_71 = tpu.vector_load %arg14[%swap3A_69, %swap3A_70] {strides = array<i32>} : memref<160x128xf32, #tpu.memory_space<vmem>>, vector<1x16xf32>,
      %swap3A_72 = vector.shape_cast %swap3A_71 : vector<1x16xf32> to vector<16xf32>
      %swap3A_73 = vector.shape_cast %broadcast_in_dim3A_1 : vector<16xf32> to vector<1x16xf32>
      tpu.vector_store %arg14[%swap3A_69, %swap3A_70], %swap3A_73 {strides = array<i32>} : memref<160x128xf32, #tpu.memory_space<vmem>>, vector<1x16xf32>,
      %swap3A_74 = arith.index_cast %scan3A_44 : i32 to index
      %swap3A_75 = arith.constant 96 : index
      %swap3A_76 = tpu.vector_load %arg14[%swap3A_74, %swap3A_75] {strides = array<i32>} : memref<160x128xf32, #tpu.memory_space<vmem>>, vector<1x16xf32>,
      %swap3A_77 = vector.shape_cast %swap3A_76 : vector<1x16xf32> to vector<16xf32>
      %swap3A_78 = vector.shape_cast %broadcast_in_dim3A_1 : vector<16xf32> to vector<1x16xf32>
      tpu.vector_store %arg14[%swap3A_74, %swap3A_75], %swap3A_78 {strides = array<i32>} : memref<160x128xf32, #tpu.memory_space<vmem>>, vector<1x16xf32>,
      %swap3A_79 = arith.index_cast %scan3A_44 : i32 to index
      %swap3A_80 = arith.constant 112 : index
      %swap3A_81 = tpu.vector_load %arg14[%swap3A_79, %swap3A_80] {strides = array<i32>} : memref<160x128xf32, #tpu.memory_space<vmem>>, vector<1x16xf32>,
      %swap3A_82 = vector.shape_cast %swap3A_81 : vector<1x16xf32> to vector<16xf32>
      %swap3A_83 = vector.shape_cast %broadcast_in_dim3A_1 : vector<16xf32> to vector<1x16xf32>
      tpu.vector_store %arg14[%swap3A_79, %swap3A_80], %swap3A_83 {strides = array<i32>} : memref<160x128xf32, #tpu.memory_space<vmem>>, vector<1x16xf32>,
    }
    %scan3A_6 = arith.constant 160 : i32
    %mul3A_7 = arith.constant 640 : i32
    %mul3A_8 = arith.muli %arg1, %mul3A_7 : i32
    %add3A_9 = arith.constant 0 : i32
    %add3A_10 = arith.addi %mul3A_8, %add3A_9 : i32
    "tpu.region"() ({
      %run_scoped3A = tpu.sem_alloc : memref<!tpu.dma_semaphore, #tpu.memory_space<semaphore_mem>>
      %dma_start3A = arith.constant 0 : i32
      %dma_start3A_44 = tpu.memref_slice %arg15[%add3A_10, %dma_start3A] : memref<10240x128xf32, #tpu.memory_space<vmem_shared>> -> memref<160x128xf32, #tpu.memory_space<vmem_shared>>
      %dma_start3A_45 = arith.constant 0 : i32
      %dma_start3A_46 = tpu.memref_slice %arg15[%add3A_10, %dma_start3A_45] : memref<10240x128xf32, #tpu.memory_space<vmem_shared>> -> memref<160x128xf32, #tpu.memory_space<vmem_shared>>
      tpu.enqueue_dma source(%arg14 : memref<160x128xf32, #tpu.memory_space<vmem>>) target(%dma_start3A_46 : memref<160x128xf32, #tpu.memory_space<vmem_shared>>) target_semaphore(%run_scoped3A : memref<!tpu.dma_semaphore, #tpu.memory_space<semaphore_mem>>)
      %dma_wait3A = arith.constant 0 : i32
      %dma_wait3A_47 = tpu.memref_slice %arg15[%add3A_10, %dma_wait3A] : memref<10240x128xf32, #tpu.memory_space<vmem_shared>> -> memref<160x128xf32, #tpu.memory_space<vmem_shared>>
      %dma_wait3A_48 = arith.constant 0 : i32
      %dma_wait3A_49 = tpu.memref_slice %arg15[%add3A_10, %dma_wait3A_48] : memref<10240x128xf32, #tpu.memory_space<vmem_shared>> -> memref<160x128xf32, #tpu.memory_space<vmem_shared>>
      tpu.wait_dma2 semaphore(%run_scoped3A : memref<!tpu.dma_semaphore, #tpu.memory_space<semaphore_mem>>) src(%arg14 : memref<160x128xf32, #tpu.memory_space<vmem>>) dst(%dma_wait3A_49 : memref<160x128xf32, #tpu.memory_space<vmem_shared>>)
      tpu.yield
    }) : () -> ()
    %mul3A_11 = arith.constant 640 : i32
    %mul3A_12 = arith.muli %arg1, %mul3A_11 : i32
    %add3A_13 = arith.constant 160 : i32
    %add3A_14 = arith.addi %mul3A_12, %add3A_13 : i32
    "tpu.region"() ({
      %run_scoped3A = tpu.sem_alloc : memref<!tpu.dma_semaphore, #tpu.memory_space<semaphore_mem>>
      %dma_start3A = arith.constant 0 : i32
      %dma_start3A_44 = tpu.memref_slice %arg15[%add3A_14, %dma_start3A] : memref<10240x128xf32, #tpu.memory_space<vmem_shared>> -> memref<160x128xf32, #tpu.memory_space<vmem_shared>>
      %dma_start3A_45 = arith.constant 0 : i32
      %dma_start3A_46 = tpu.memref_slice %arg15[%add3A_14, %dma_start3A_45] : memref<10240x128xf32, #tpu.memory_space<vmem_shared>> -> memref<160x128xf32, #tpu.memory_space<vmem_shared>>
      tpu.enqueue_dma source(%arg14 : memref<160x128xf32, #tpu.memory_space<vmem>>) target(%dma_start3A_46 : memref<160x128xf32, #tpu.memory_space<vmem_shared>>) target_semaphore(%run_scoped3A : memref<!tpu.dma_semaphore, #tpu.memory_space<semaphore_mem>>)
      %dma_wait3A = arith.constant 0 : i32
      %dma_wait3A_47 = tpu.memref_slice %arg15[%add3A_14, %dma_wait3A] : memref<10240x128xf32, #tpu.memory_space<vmem_shared>> -> memref<160x128xf32, #tpu.memory_space<vmem_shared>>
      %dma_wait3A_48 = arith.constant 0 : i32
      %dma_wait3A_49 = tpu.memref_slice %arg15[%add3A_14, %dma_wait3A_48] : memref<10240x128xf32, #tpu.memory_space<vmem_shared>> -> memref<160x128xf32, #tpu.memory_space<vmem_shared>>
      tpu.wait_dma2 semaphore(%run_scoped3A : memref<!tpu.dma_semaphore, #tpu.memory_space<semaphore_mem>>) src(%arg14 : memref<160x128xf32, #tpu.memory_space<vmem>>) dst(%dma_wait3A_49 : memref<160x128xf32, #tpu.memory_space<vmem_shared>>)
      tpu.yield
    }) : () -> ()
    %mul3A_15 = arith.constant 640 : i32
    %mul3A_16 = arith.muli %arg1, %mul3A_15 : i32
    %add3A_17 = arith.constant 320 : i32
    %add3A_18 = arith.addi %mul3A_16, %add3A_17 : i32
    "tpu.region"() ({
      %run_scoped3A = tpu.sem_alloc : memref<!tpu.dma_semaphore, #tpu.memory_space<semaphore_mem>>
      %dma_start3A = arith.constant 0 : i32
      %dma_start3A_44 = tpu.memref_slice %arg15[%add3A_18, %dma_start3A] : memref<10240x128xf32, #tpu.memory_space<vmem_shared>> -> memref<160x128xf32, #tpu.memory_space<vmem_shared>>
      %dma_start3A_45 = arith.constant 0 : i32
      %dma_start3A_46 = tpu.memref_slice %arg15[%add3A_18, %dma_start3A_45] : memref<10240x128xf32, #tpu.memory_space<vmem_shared>> -> memref<160x128xf32, #tpu.memory_space<vmem_shared>>
      tpu.enqueue_dma source(%arg14 : memref<160x128xf32, #tpu.memory_space<vmem>>) target(%dma_start3A_46 : memref<160x128xf32, #tpu.memory_space<vmem_shared>>) target_semaphore(%run_scoped3A : memref<!tpu.dma_semaphore, #tpu.memory_space<semaphore_mem>>)
      %dma_wait3A = arith.constant 0 : i32
      %dma_wait3A_47 = tpu.memref_slice %arg15[%add3A_18, %dma_wait3A] : memref<10240x128xf32, #tpu.memory_space<vmem_shared>> -> memref<160x128xf32, #tpu.memory_space<vmem_shared>>
      %dma_wait3A_48 = arith.constant 0 : i32
      %dma_wait3A_49 = tpu.memref_slice %arg15[%add3A_18, %dma_wait3A_48] : memref<10240x128xf32, #tpu.memory_space<vmem_shared>> -> memref<160x128xf32, #tpu.memory_space<vmem_shared>>
      tpu.wait_dma2 semaphore(%run_scoped3A : memref<!tpu.dma_semaphore, #tpu.memory_space<semaphore_mem>>) src(%arg14 : memref<160x128xf32, #tpu.memory_space<vmem>>) dst(%dma_wait3A_49 : memref<160x128xf32, #tpu.memory_space<vmem_shared>>)
      tpu.yield
    }) : () -> ()
    %mul3A_19 = arith.constant 640 : i32
    %mul3A_20 = arith.muli %arg1, %mul3A_19 : i32
    %add3A_21 = arith.constant 480 : i32
    %add3A_22 = arith.addi %mul3A_20, %add3A_21 : i32
    "tpu.region"() ({
      %run_scoped3A = tpu.sem_alloc : memref<!tpu.dma_semaphore, #tpu.memory_space<semaphore_mem>>
      %dma_start3A = arith.constant 0 : i32
      %dma_start3A_44 = tpu.memref_slice %arg15[%add3A_22, %dma_start3A] : memref<10240x128xf32, #tpu.memory_space<vmem_shared>> -> memref<160x128xf32, #tpu.memory_space<vmem_shared>>
      %dma_start3A_45 = arith.constant 0 : i32
      %dma_start3A_46 = tpu.memref_slice %arg15[%add3A_22, %dma_start3A_45] : memref<10240x128xf32, #tpu.memory_space<vmem_shared>> -> memref<160x128xf32, #tpu.memory_space<vmem_shared>>
      tpu.enqueue_dma source(%arg14 : memref<160x128xf32, #tpu.memory_space<vmem>>) target(%dma_start3A_46 : memref<160x128xf32, #tpu.memory_space<vmem_shared>>) target_semaphore(%run_scoped3A : memref<!tpu.dma_semaphore, #tpu.memory_space<semaphore_mem>>)
      %dma_wait3A = arith.constant 0 : i32
      %dma_wait3A_47 = tpu.memref_slice %arg15[%add3A_22, %dma_wait3A] : memref<10240x128xf32, #tpu.memory_space<vmem_shared>> -> memref<160x128xf32, #tpu.memory_space<vmem_shared>>
      %dma_wait3A_48 = arith.constant 0 : i32
      %dma_wait3A_49 = tpu.memref_slice %arg15[%add3A_22, %dma_wait3A_48] : memref<10240x128xf32, #tpu.memory_space<vmem_shared>> -> memref<160x128xf32, #tpu.memory_space<vmem_shared>>
      tpu.wait_dma2 semaphore(%run_scoped3A : memref<!tpu.dma_semaphore, #tpu.memory_space<semaphore_mem>>) src(%arg14 : memref<160x128xf32, #tpu.memory_space<vmem>>) dst(%dma_wait3A_49 : memref<160x128xf32, #tpu.memory_space<vmem_shared>>)
      tpu.yield
    }) : () -> ()
    %barrier3A = arith.constant 0 : index
    tpu.barrier barrier_id(%barrier3A)
    %mul3A_23 = arith.constant 10000 : i32
    %mul3A_24 = arith.muli %add3A, %mul3A_23 : i32
    %scan3A_25 = arith.constant 0 : i32
    %scan3A_26 = arith.constant 0 : i32
    %scan3A_27 = arith.constant 125 : i32
    %scan3A_28 = arith.addi %scan3A_26, %scan3A_27 : i32
    %scan3A_29 = arith.constant 1 : i32
    scf.for %scan3A_44 = %scan3A_26 to %scan3A_28 step %scan3A_29  : i32 {
      %mul3A_45 = arith.constant 80 : i32
      %mul3A_46 = arith.muli %scan3A_44, %mul3A_45 : i32
      %add3A_47 = arith.addi %mul3A_24, %mul3A_46 : i32
      "tpu.region"() ({
        %run_scoped3A = tpu.sem_alloc : memref<!tpu.dma_semaphore, #tpu.memory_space<semaphore_mem>>
        %dma_start3A_58 = tpu.memref_slice %arg4[%add3A_47] : memref<320000xi32, #tpu.memory_space<hbm>> -> memref<80xi32, #tpu.memory_space<hbm>>
        %dma_start3A_59 = tpu.memref_slice %arg4[%add3A_47] : memref<320000xi32, #tpu.memory_space<hbm>> -> memref<80xi32, #tpu.memory_space<hbm>>
        tpu.enqueue_dma source(%dma_start3A_59 : memref<80xi32, #tpu.memory_space<hbm>>) target(%arg10 : memref<80xi32, #tpu.memory_space<vmem>>) target_semaphore(%run_scoped3A : memref<!tpu.dma_semaphore, #tpu.memory_space<semaphore_mem>>)
        %dma_wait3A_60 = tpu.memref_slice %arg4[%add3A_47] : memref<320000xi32, #tpu.memory_space<hbm>> -> memref<80xi32, #tpu.memory_space<hbm>>
        %dma_wait3A_61 = tpu.memref_slice %arg4[%add3A_47] : memref<320000xi32, #tpu.memory_space<hbm>> -> memref<80xi32, #tpu.memory_space<hbm>>
        tpu.wait_dma2 semaphore(%run_scoped3A : memref<!tpu.dma_semaphore, #tpu.memory_space<semaphore_mem>>) src(%dma_wait3A_61 : memref<80xi32, #tpu.memory_space<hbm>>) dst(%arg10 : memref<80xi32, #tpu.memory_space<vmem>>)
        tpu.yield
      }) : () -> ()
      "tpu.region"() ({
        %run_scoped3A = tpu.sem_alloc : memref<!tpu.dma_semaphore, #tpu.memory_space<semaphore_mem>>
        %dma_start3A_58 = tpu.memref_slice %arg5[%add3A_47] : memref<320000xi32, #tpu.memory_space<hbm>> -> memref<80xi32, #tpu.memory_space<hbm>>
        %dma_start3A_59 = tpu.memref_slice %arg5[%add3A_47] : memref<320000xi32, #tpu.memory_space<hbm>> -> memref<80xi32, #tpu.memory_space<hbm>>
        tpu.enqueue_dma source(%dma_start3A_59 : memref<80xi32, #tpu.memory_space<hbm>>) target(%arg11 : memref<80xi32, #tpu.memory_space<vmem>>) target_semaphore(%run_scoped3A : memref<!tpu.dma_semaphore, #tpu.memory_space<semaphore_mem>>)
        %dma_wait3A_60 = tpu.memref_slice %arg5[%add3A_47] : memref<320000xi32, #tpu.memory_space<hbm>> -> memref<80xi32, #tpu.memory_space<hbm>>
        %dma_wait3A_61 = tpu.memref_slice %arg5[%add3A_47] : memref<320000xi32, #tpu.memory_space<hbm>> -> memref<80xi32, #tpu.memory_space<hbm>>
        tpu.wait_dma2 semaphore(%run_scoped3A : memref<!tpu.dma_semaphore, #tpu.memory_space<semaphore_mem>>) src(%dma_wait3A_61 : memref<80xi32, #tpu.memory_space<hbm>>) dst(%arg11 : memref<80xi32, #tpu.memory_space<vmem>>)
        tpu.yield
      }) : () -> ()
      "tpu.region"() ({
        %run_scoped3A = tpu.sem_alloc : memref<!tpu.dma_semaphore, #tpu.memory_space<semaphore_mem>>
        %dma_start3A_58 = arith.constant 0 : i32
        %dma_start3A_59 = tpu.memref_slice %arg3[%add3A_47, %dma_start3A_58] : memref<320000x128xf32, #tpu.memory_space<hbm>> -> memref<80x128xf32, #tpu.memory_space<hbm>>
        %dma_start3A_60 = arith.constant 0 : i32
        %dma_start3A_61 = tpu.memref_slice %arg3[%add3A_47, %dma_start3A_60] : memref<320000x128xf32, #tpu.memory_space<hbm>> -> memref<80x128xf32, #tpu.memory_space<hbm>>
        tpu.enqueue_dma source(%dma_start3A_61 : memref<80x128xf32, #tpu.memory_space<hbm>>) target(%arg13 : memref<80x128xf32, #tpu.memory_space<vmem>>) target_semaphore(%run_scoped3A : memref<!tpu.dma_semaphore, #tpu.memory_space<semaphore_mem>>)
        %dma_wait3A_62 = arith.constant 0 : i32
        %dma_wait3A_63 = tpu.memref_slice %arg3[%add3A_47, %dma_wait3A_62] : memref<320000x128xf32, #tpu.memory_space<hbm>> -> memref<80x128xf32, #tpu.memory_space<hbm>>
        %dma_wait3A_64 = arith.constant 0 : i32
        %dma_wait3A_65 = tpu.memref_slice %arg3[%add3A_47, %dma_wait3A_64] : memref<320000x128xf32, #tpu.memory_space<hbm>> -> memref<80x128xf32, #tpu.memory_space<hbm>>
        tpu.wait_dma2 semaphore(%run_scoped3A : memref<!tpu.dma_semaphore, #tpu.memory_space<semaphore_mem>>) src(%dma_wait3A_65 : memref<80x128xf32, #tpu.memory_space<hbm>>) dst(%arg13 : memref<80x128xf32, #tpu.memory_space<vmem>>)
        tpu.yield
      }) : () -> ()
      %dma_start3A = arith.constant 0 : i32
      %dma_start3A_48 = arith.constant 0 : i32
      %dma_start3A_49 = tpu.memref_slice %arg2[%dma_start3A, %dma_start3A_48] : memref<10000x128xf32, #tpu.memory_space<hbm>> -> memref<10000x128xf32, #tpu.memory_space<hbm>>
      tpu.enqueue_indirect_dma source(%dma_start3A_49 : memref<10000x128xf32, #tpu.memory_space<hbm>>) target(%arg12 : memref<80x128xf32, #tpu.memory_space<vmem>>) offsets(%arg10 : memref<80xi32, #tpu.memory_space<vmem>>) semaphore(%arg16 : memref<!tpu.dma_semaphore, #tpu.memory_space<semaphore_mem>>)
      %dma_wait3A = arith.constant 0 : i32
      %dma_wait3A_50 = arith.constant 0 : i32
      %dma_wait3A_51 = tpu.memref_slice %arg2[%dma_wait3A, %dma_wait3A_50] : memref<10000x128xf32, #tpu.memory_space<hbm>> -> memref<10000x128xf32, #tpu.memory_space<hbm>>
      tpu.wait_indirect_dma semaphore(%arg16 : memref<!tpu.dma_semaphore, #tpu.memory_space<semaphore_mem>>) src(%dma_wait3A_51 : memref<10000x128xf32, #tpu.memory_space<hbm>>) dst(%arg12 : memref<80x128xf32, #tpu.memory_space<vmem>>)
      %scan3A_52 = arith.constant 0 : i32
      %scan3A_53 = arith.constant 0 : i32
      %scan3A_54 = arith.constant 80 : i32
      %scan3A_55 = arith.addi %scan3A_53, %scan3A_54 : i32
      %scan3A_56 = arith.constant 1 : i32
      scf.for %scan3A_58 = %scan3A_53 to %scan3A_55 step %scan3A_56  : i32 {
        %get3A = arith.index_cast %scan3A_58 : i32 to index
        %get3A_59 = arith.constant 0 : index
        %get3A_60 = tpu.vector_load %arg13[%get3A, %get3A_59] {strides = array<i32>} : memref<80x128xf32, #tpu.memory_space<vmem>>, vector<1x16xf32>,
        %get3A_61 = vector.shape_cast %get3A_60 : vector<1x16xf32> to vector<16xf32>
        %get3A_62 = arith.index_cast %scan3A_58 : i32 to index
        %get3A_63 = arith.constant 0 : index
        %get3A_64 = tpu.vector_load %arg12[%get3A_62, %get3A_63] {strides = array<i32>} : memref<80x128xf32, #tpu.memory_space<vmem>>, vector<1x16xf32>,
        %get3A_65 = vector.shape_cast %get3A_64 : vector<1x16xf32> to vector<16xf32>
        %mul3A_66 = arith.mulf %get3A_61, %get3A_65 : vector<16xf32>
        %swap3A = arith.index_cast %scan3A_58 : i32 to index
        %swap3A_67 = arith.constant 0 : index
        %swap3A_68 = tpu.vector_load %arg13[%swap3A, %swap3A_67] {strides = array<i32>} : memref<80x128xf32, #tpu.memory_space<vmem>>, vector<1x16xf32>,
        %swap3A_69 = vector.shape_cast %swap3A_68 : vector<1x16xf32> to vector<16xf32>
        %swap3A_70 = vector.shape_cast %mul3A_66 : vector<16xf32> to vector<1x16xf32>
        tpu.vector_store %arg13[%swap3A, %swap3A_67], %swap3A_70 {strides = array<i32>} : memref<80x128xf32, #tpu.memory_space<vmem>>, vector<1x16xf32>,
        %get3A_71 = arith.index_cast %scan3A_58 : i32 to index
        %get3A_72 = arith.constant 16 : index
        %get3A_73 = tpu.vector_load %arg13[%get3A_71, %get3A_72] {strides = array<i32>} : memref<80x128xf32, #tpu.memory_space<vmem>>, vector<1x16xf32>,
        %get3A_74 = vector.shape_cast %get3A_73 : vector<1x16xf32> to vector<16xf32>
        %get3A_75 = arith.index_cast %scan3A_58 : i32 to index
        %get3A_76 = arith.constant 16 : index
        %get3A_77 = tpu.vector_load %arg12[%get3A_75, %get3A_76] {strides = array<i32>} : memref<80x128xf32, #tpu.memory_space<vmem>>, vector<1x16xf32>,
        %get3A_78 = vector.shape_cast %get3A_77 : vector<1x16xf32> to vector<16xf32>
        %mul3A_79 = arith.mulf %get3A_74, %get3A_78 : vector<16xf32>
        %swap3A_80 = arith.index_cast %scan3A_58 : i32 to index
        %swap3A_81 = arith.constant 16 : index
        %swap3A_82 = tpu.vector_load %arg13[%swap3A_80, %swap3A_81] {strides = array<i32>} : memref<80x128xf32, #tpu.memory_space<vmem>>, vector<1x16xf32>,
        %swap3A_83 = vector.shape_cast %swap3A_82 : vector<1x16xf32> to vector<16xf32>
        %swap3A_84 = vector.shape_cast %mul3A_79 : vector<16xf32> to vector<1x16xf32>
        tpu.vector_store %arg13[%swap3A_80, %swap3A_81], %swap3A_84 {strides = array<i32>} : memref<80x128xf32, #tpu.memory_space<vmem>>, vector<1x16xf32>,
        %get3A_85 = arith.index_cast %scan3A_58 : i32 to index
        %get3A_86 = arith.constant 32 : index
        %get3A_87 = tpu.vector_load %arg13[%get3A_85, %get3A_86] {strides = array<i32>} : memref<80x128xf32, #tpu.memory_space<vmem>>, vector<1x16xf32>,
        %get3A_88 = vector.shape_cast %get3A_87 : vector<1x16xf32> to vector<16xf32>
        %get3A_89 = arith.index_cast %scan3A_58 : i32 to index
        %get3A_90 = arith.constant 32 : index
        %get3A_91 = tpu.vector_load %arg12[%get3A_89, %get3A_90] {strides = array<i32>} : memref<80x128xf32, #tpu.memory_space<vmem>>, vector<1x16xf32>,
        %get3A_92 = vector.shape_cast %get3A_91 : vector<1x16xf32> to vector<16xf32>
        %mul3A_93 = arith.mulf %get3A_88, %get3A_92 : vector<16xf32>
        %swap3A_94 = arith.index_cast %scan3A_58 : i32 to index
        %swap3A_95 = arith.constant 32 : index
        %swap3A_96 = tpu.vector_load %arg13[%swap3A_94, %swap3A_95] {strides = array<i32>} : memref<80x128xf32, #tpu.memory_space<vmem>>, vector<1x16xf32>,
        %swap3A_97 = vector.shape_cast %swap3A_96 : vector<1x16xf32> to vector<16xf32>
        %swap3A_98 = vector.shape_cast %mul3A_93 : vector<16xf32> to vector<1x16xf32>
        tpu.vector_store %arg13[%swap3A_94, %swap3A_95], %swap3A_98 {strides = array<i32>} : memref<80x128xf32, #tpu.memory_space<vmem>>, vector<1x16xf32>,
        %get3A_99 = arith.index_cast %scan3A_58 : i32 to index
        %get3A_100 = arith.constant 48 : index
        %get3A_101 = tpu.vector_load %arg13[%get3A_99, %get3A_100] {strides = array<i32>} : memref<80x128xf32, #tpu.memory_space<vmem>>, vector<1x16xf32>,
        %get3A_102 = vector.shape_cast %get3A_101 : vector<1x16xf32> to vector<16xf32>
        %get3A_103 = arith.index_cast %scan3A_58 : i32 to index
        %get3A_104 = arith.constant 48 : index
        %get3A_105 = tpu.vector_load %arg12[%get3A_103, %get3A_104] {strides = array<i32>} : memref<80x128xf32, #tpu.memory_space<vmem>>, vector<1x16xf32>,
        %get3A_106 = vector.shape_cast %get3A_105 : vector<1x16xf32> to vector<16xf32>
        %mul3A_107 = arith.mulf %get3A_102, %get3A_106 : vector<16xf32>
        %swap3A_108 = arith.index_cast %scan3A_58 : i32 to index
        %swap3A_109 = arith.constant 48 : index
        %swap3A_110 = tpu.vector_load %arg13[%swap3A_108, %swap3A_109] {strides = array<i32>} : memref<80x128xf32, #tpu.memory_space<vmem>>, vector<1x16xf32>,
        %swap3A_111 = vector.shape_cast %swap3A_110 : vector<1x16xf32> to vector<16xf32>
        %swap3A_112 = vector.shape_cast %mul3A_107 : vector<16xf32> to vector<1x16xf32>
        tpu.vector_store %arg13[%swap3A_108, %swap3A_109], %swap3A_112 {strides = array<i32>} : memref<80x128xf32, #tpu.memory_space<vmem>>, vector<1x16xf32>,
        %get3A_113 = arith.index_cast %scan3A_58 : i32 to index
        %get3A_114 = arith.constant 64 : index
        %get3A_115 = tpu.vector_load %arg13[%get3A_113, %get3A_114] {strides = array<i32>} : memref<80x128xf32, #tpu.memory_space<vmem>>, vector<1x16xf32>,
        %get3A_116 = vector.shape_cast %get3A_115 : vector<1x16xf32> to vector<16xf32>
        %get3A_117 = arith.index_cast %scan3A_58 : i32 to index
        %get3A_118 = arith.constant 64 : index
        %get3A_119 = tpu.vector_load %arg12[%get3A_117, %get3A_118] {strides = array<i32>} : memref<80x128xf32, #tpu.memory_space<vmem>>, vector<1x16xf32>,
        %get3A_120 = vector.shape_cast %get3A_119 : vector<1x16xf32> to vector<16xf32>
        %mul3A_121 = arith.mulf %get3A_116, %get3A_120 : vector<16xf32>
        %swap3A_122 = arith.index_cast %scan3A_58 : i32 to index
        %swap3A_123 = arith.constant 64 : index
        %swap3A_124 = tpu.vector_load %arg13[%swap3A_122, %swap3A_123] {strides = array<i32>} : memref<80x128xf32, #tpu.memory_space<vmem>>, vector<1x16xf32>,
        %swap3A_125 = vector.shape_cast %swap3A_124 : vector<1x16xf32> to vector<16xf32>
        %swap3A_126 = vector.shape_cast %mul3A_121 : vector<16xf32> to vector<1x16xf32>
        tpu.vector_store %arg13[%swap3A_122, %swap3A_123], %swap3A_126 {strides = array<i32>} : memref<80x128xf32, #tpu.memory_space<vmem>>, vector<1x16xf32>,
        %get3A_127 = arith.index_cast %scan3A_58 : i32 to index
        %get3A_128 = arith.constant 80 : index
        %get3A_129 = tpu.vector_load %arg13[%get3A_127, %get3A_128] {strides = array<i32>} : memref<80x128xf32, #tpu.memory_space<vmem>>, vector<1x16xf32>,
        %get3A_130 = vector.shape_cast %get3A_129 : vector<1x16xf32> to vector<16xf32>
        %get3A_131 = arith.index_cast %scan3A_58 : i32 to index
        %get3A_132 = arith.constant 80 : index
        %get3A_133 = tpu.vector_load %arg12[%get3A_131, %get3A_132] {strides = array<i32>} : memref<80x128xf32, #tpu.memory_space<vmem>>, vector<1x16xf32>,
        %get3A_134 = vector.shape_cast %get3A_133 : vector<1x16xf32> to vector<16xf32>
        %mul3A_135 = arith.mulf %get3A_130, %get3A_134 : vector<16xf32>
        %swap3A_136 = arith.index_cast %scan3A_58 : i32 to index
        %swap3A_137 = arith.constant 80 : index
        %swap3A_138 = tpu.vector_load %arg13[%swap3A_136, %swap3A_137] {strides = array<i32>} : memref<80x128xf32, #tpu.memory_space<vmem>>, vector<1x16xf32>,
        %swap3A_139 = vector.shape_cast %swap3A_138 : vector<1x16xf32> to vector<16xf32>
        %swap3A_140 = vector.shape_cast %mul3A_135 : vector<16xf32> to vector<1x16xf32>
        tpu.vector_store %arg13[%swap3A_136, %swap3A_137], %swap3A_140 {strides = array<i32>} : memref<80x128xf32, #tpu.memory_space<vmem>>, vector<1x16xf32>,
        %get3A_141 = arith.index_cast %scan3A_58 : i32 to index
        %get3A_142 = arith.constant 96 : index
        %get3A_143 = tpu.vector_load %arg13[%get3A_141, %get3A_142] {strides = array<i32>} : memref<80x128xf32, #tpu.memory_space<vmem>>, vector<1x16xf32>,
        %get3A_144 = vector.shape_cast %get3A_143 : vector<1x16xf32> to vector<16xf32>
        %get3A_145 = arith.index_cast %scan3A_58 : i32 to index
        %get3A_146 = arith.constant 96 : index
        %get3A_147 = tpu.vector_load %arg12[%get3A_145, %get3A_146] {strides = array<i32>} : memref<80x128xf32, #tpu.memory_space<vmem>>, vector<1x16xf32>,
        %get3A_148 = vector.shape_cast %get3A_147 : vector<1x16xf32> to vector<16xf32>
        %mul3A_149 = arith.mulf %get3A_144, %get3A_148 : vector<16xf32>
        %swap3A_150 = arith.index_cast %scan3A_58 : i32 to index
        %swap3A_151 = arith.constant 96 : index
        %swap3A_152 = tpu.vector_load %arg13[%swap3A_150, %swap3A_151] {strides = array<i32>} : memref<80x128xf32, #tpu.memory_space<vmem>>, vector<1x16xf32>,
        %swap3A_153 = vector.shape_cast %swap3A_152 : vector<1x16xf32> to vector<16xf32>
        %swap3A_154 = vector.shape_cast %mul3A_149 : vector<16xf32> to vector<1x16xf32>
        tpu.vector_store %arg13[%swap3A_150, %swap3A_151], %swap3A_154 {strides = array<i32>} : memref<80x128xf32, #tpu.memory_space<vmem>>, vector<1x16xf32>,
        %get3A_155 = arith.index_cast %scan3A_58 : i32 to index
        %get3A_156 = arith.constant 112 : index
        %get3A_157 = tpu.vector_load %arg13[%get3A_155, %get3A_156] {strides = array<i32>} : memref<80x128xf32, #tpu.memory_space<vmem>>, vector<1x16xf32>,
        %get3A_158 = vector.shape_cast %get3A_157 : vector<1x16xf32> to vector<16xf32>
        %get3A_159 = arith.index_cast %scan3A_58 : i32 to index
        %get3A_160 = arith.constant 112 : index
        %get3A_161 = tpu.vector_load %arg12[%get3A_159, %get3A_160] {strides = array<i32>} : memref<80x128xf32, #tpu.memory_space<vmem>>, vector<1x16xf32>,
        %get3A_162 = vector.shape_cast %get3A_161 : vector<1x16xf32> to vector<16xf32>
        %mul3A_163 = arith.mulf %get3A_158, %get3A_162 : vector<16xf32>
        %swap3A_164 = arith.index_cast %scan3A_58 : i32 to index
        %swap3A_165 = arith.constant 112 : index
        %swap3A_166 = tpu.vector_load %arg13[%swap3A_164, %swap3A_165] {strides = array<i32>} : memref<80x128xf32, #tpu.memory_space<vmem>>, vector<1x16xf32>,
        %swap3A_167 = vector.shape_cast %swap3A_166 : vector<1x16xf32> to vector<16xf32>
        %swap3A_168 = vector.shape_cast %mul3A_163 : vector<16xf32> to vector<1x16xf32>
        tpu.vector_store %arg13[%swap3A_164, %swap3A_165], %swap3A_168 {strides = array<i32>} : memref<80x128xf32, #tpu.memory_space<vmem>>, vector<1x16xf32>,
      }
      %scan3A_57 = arith.constant 80 : i32
      "tpu.region"() ({
        %run_scoped3A = tpu.sem_alloc : memref<!tpu.dma_semaphore, #tpu.memory_space<semaphore_mem>>
        %dma_start3A_58 = arith.constant 0 : i32
        %dma_start3A_59 = arith.constant 0 : i32
        %dma_start3A_60 = tpu.memref_slice %arg15[%dma_start3A_58, %dma_start3A_59] : memref<10240x128xf32, #tpu.memory_space<vmem_shared>> -> memref<10240x128xf32, #tpu.memory_space<vmem_shared>>
        tpu.enqueue_indirect_dma source(%arg13 : memref<80x128xf32, #tpu.memory_space<vmem>>) target(%dma_start3A_60 : memref<10240x128xf32, #tpu.memory_space<vmem_shared>>) offsets(%arg11 : memref<80xi32, #tpu.memory_space<vmem>>) semaphore(%run_scoped3A : memref<!tpu.dma_semaphore, #tpu.memory_space<semaphore_mem>>) {add = true}
        %dma_wait3A_61 = arith.constant 0 : i32
        %dma_wait3A_62 = arith.constant 0 : i32
        %dma_wait3A_63 = tpu.memref_slice %arg15[%dma_wait3A_61, %dma_wait3A_62] : memref<10240x128xf32, #tpu.memory_space<vmem_shared>> -> memref<10240x128xf32, #tpu.memory_space<vmem_shared>>
        tpu.wait_indirect_dma semaphore(%run_scoped3A : memref<!tpu.dma_semaphore, #tpu.memory_space<semaphore_mem>>) src(%arg13 : memref<80x128xf32, #tpu.memory_space<vmem>>) dst(%dma_wait3A_63 : memref<10240x128xf32, #tpu.memory_space<vmem_shared>>)
        tpu.yield
      }) : () -> ()
    }
    %scan3A_30 = arith.constant 125 : i32
    %mul3A_31 = arith.constant 320 : i32
    %mul3A_32 = arith.muli %add3A, %mul3A_31 : i32
    %scan3A_33 = arith.constant 0 : i32
    %scan3A_34 = arith.constant 0 : i32
    %scan3A_35 = arith.constant 4 : i32
    %scan3A_36 = arith.addi %scan3A_34, %scan3A_35 : i32
    %scan3A_37 = arith.constant 1 : i32
    scf.for %scan3A_44 = %scan3A_34 to %scan3A_36 step %scan3A_37  : i32 {
      %mul3A_45 = arith.constant 80 : i32
      %mul3A_46 = arith.muli %scan3A_44, %mul3A_45 : i32
      %add3A_47 = arith.addi %mul3A_32, %mul3A_46 : i32
      "tpu.region"() ({
        %run_scoped3A = tpu.sem_alloc : memref<!tpu.dma_semaphore, #tpu.memory_space<semaphore_mem>>
        %dma_start3A_58 = tpu.memref_slice %arg7[%add3A_47] : memref<10240xi32, #tpu.memory_space<hbm>> -> memref<80xi32, #tpu.memory_space<hbm>>
        %dma_start3A_59 = tpu.memref_slice %arg7[%add3A_47] : memref<10240xi32, #tpu.memory_space<hbm>> -> memref<80xi32, #tpu.memory_space<hbm>>
        tpu.enqueue_dma source(%dma_start3A_59 : memref<80xi32, #tpu.memory_space<hbm>>) target(%arg10 : memref<80xi32, #tpu.memory_space<vmem>>) target_semaphore(%run_scoped3A : memref<!tpu.dma_semaphore, #tpu.memory_space<semaphore_mem>>)
        %dma_wait3A_60 = tpu.memref_slice %arg7[%add3A_47] : memref<10240xi32, #tpu.memory_space<hbm>> -> memref<80xi32, #tpu.memory_space<hbm>>
        %dma_wait3A_61 = tpu.memref_slice %arg7[%add3A_47] : memref<10240xi32, #tpu.memory_space<hbm>> -> memref<80xi32, #tpu.memory_space<hbm>>
        tpu.wait_dma2 semaphore(%run_scoped3A : memref<!tpu.dma_semaphore, #tpu.memory_space<semaphore_mem>>) src(%dma_wait3A_61 : memref<80xi32, #tpu.memory_space<hbm>>) dst(%arg10 : memref<80xi32, #tpu.memory_space<vmem>>)
        tpu.yield
      }) : () -> ()
      "tpu.region"() ({
        %run_scoped3A = tpu.sem_alloc : memref<!tpu.dma_semaphore, #tpu.memory_space<semaphore_mem>>
        %dma_start3A_58 = tpu.memref_slice %arg8[%add3A_47] : memref<10240xi32, #tpu.memory_space<hbm>> -> memref<80xi32, #tpu.memory_space<hbm>>
        %dma_start3A_59 = tpu.memref_slice %arg8[%add3A_47] : memref<10240xi32, #tpu.memory_space<hbm>> -> memref<80xi32, #tpu.memory_space<hbm>>
        tpu.enqueue_dma source(%dma_start3A_59 : memref<80xi32, #tpu.memory_space<hbm>>) target(%arg11 : memref<80xi32, #tpu.memory_space<vmem>>) target_semaphore(%run_scoped3A : memref<!tpu.dma_semaphore, #tpu.memory_space<semaphore_mem>>)
        %dma_wait3A_60 = tpu.memref_slice %arg8[%add3A_47] : memref<10240xi32, #tpu.memory_space<hbm>> -> memref<80xi32, #tpu.memory_space<hbm>>
        %dma_wait3A_61 = tpu.memref_slice %arg8[%add3A_47] : memref<10240xi32, #tpu.memory_space<hbm>> -> memref<80xi32, #tpu.memory_space<hbm>>
        tpu.wait_dma2 semaphore(%run_scoped3A : memref<!tpu.dma_semaphore, #tpu.memory_space<semaphore_mem>>) src(%dma_wait3A_61 : memref<80xi32, #tpu.memory_space<hbm>>) dst(%arg11 : memref<80xi32, #tpu.memory_space<vmem>>)
        tpu.yield
      }) : () -> ()
      "tpu.region"() ({
        %run_scoped3A = tpu.sem_alloc : memref<!tpu.dma_semaphore, #tpu.memory_space<semaphore_mem>>
        %dma_start3A_58 = arith.constant 0 : i32
        %dma_start3A_59 = tpu.memref_slice %arg6[%add3A_47, %dma_start3A_58] : memref<10240x128xf32, #tpu.memory_space<hbm>> -> memref<80x128xf32, #tpu.memory_space<hbm>>
        %dma_start3A_60 = arith.constant 0 : i32
        %dma_start3A_61 = tpu.memref_slice %arg6[%add3A_47, %dma_start3A_60] : memref<10240x128xf32, #tpu.memory_space<hbm>> -> memref<80x128xf32, #tpu.memory_space<hbm>>
        tpu.enqueue_dma source(%dma_start3A_61 : memref<80x128xf32, #tpu.memory_space<hbm>>) target(%arg13 : memref<80x128xf32, #tpu.memory_space<vmem>>) target_semaphore(%run_scoped3A : memref<!tpu.dma_semaphore, #tpu.memory_space<semaphore_mem>>)
        %dma_wait3A_62 = arith.constant 0 : i32
        %dma_wait3A_63 = tpu.memref_slice %arg6[%add3A_47, %dma_wait3A_62] : memref<10240x128xf32, #tpu.memory_space<hbm>> -> memref<80x128xf32, #tpu.memory_space<hbm>>
        %dma_wait3A_64 = arith.constant 0 : i32
        %dma_wait3A_65 = tpu.memref_slice %arg6[%add3A_47, %dma_wait3A_64] : memref<10240x128xf32, #tpu.memory_space<hbm>> -> memref<80x128xf32, #tpu.memory_space<hbm>>
        tpu.wait_dma2 semaphore(%run_scoped3A : memref<!tpu.dma_semaphore, #tpu.memory_space<semaphore_mem>>) src(%dma_wait3A_65 : memref<80x128xf32, #tpu.memory_space<hbm>>) dst(%arg13 : memref<80x128xf32, #tpu.memory_space<vmem>>)
        tpu.yield
      }) : () -> ()
      %dma_start3A = arith.constant 0 : i32
      %dma_start3A_48 = arith.constant 0 : i32
      %dma_start3A_49 = tpu.memref_slice %arg2[%dma_start3A, %dma_start3A_48] : memref<10000x128xf32, #tpu.memory_space<hbm>> -> memref<10000x128xf32, #tpu.memory_space<hbm>>
      tpu.enqueue_indirect_dma source(%dma_start3A_49 : memref<10000x128xf32, #tpu.memory_space<hbm>>) target(%arg12 : memref<80x128xf32, #tpu.memory_space<vmem>>) offsets(%arg10 : memref<80xi32, #tpu.memory_space<vmem>>) semaphore(%arg16 : memref<!tpu.dma_semaphore, #tpu.memory_space<semaphore_mem>>)
      %dma_wait3A = arith.constant 0 : i32
      %dma_wait3A_50 = arith.constant 0 : i32
      %dma_wait3A_51 = tpu.memref_slice %arg2[%dma_wait3A, %dma_wait3A_50] : memref<10000x128xf32, #tpu.memory_space<hbm>> -> memref<10000x128xf32, #tpu.memory_space<hbm>>
      tpu.wait_indirect_dma semaphore(%arg16 : memref<!tpu.dma_semaphore, #tpu.memory_space<semaphore_mem>>) src(%dma_wait3A_51 : memref<10000x128xf32, #tpu.memory_space<hbm>>) dst(%arg12 : memref<80x128xf32, #tpu.memory_space<vmem>>)
      %scan3A_52 = arith.constant 0 : i32
      %scan3A_53 = arith.constant 0 : i32
      %scan3A_54 = arith.constant 80 : i32
      %scan3A_55 = arith.addi %scan3A_53, %scan3A_54 : i32
      %scan3A_56 = arith.constant 1 : i32
      scf.for %scan3A_58 = %scan3A_53 to %scan3A_55 step %scan3A_56  : i32 {
        %get3A = arith.index_cast %scan3A_58 : i32 to index
        %get3A_59 = arith.constant 0 : index
        %get3A_60 = tpu.vector_load %arg13[%get3A, %get3A_59] {strides = array<i32>} : memref<80x128xf32, #tpu.memory_space<vmem>>, vector<1x16xf32>,
        %get3A_61 = vector.shape_cast %get3A_60 : vector<1x16xf32> to vector<16xf32>
        %get3A_62 = arith.index_cast %scan3A_58 : i32 to index
        %get3A_63 = arith.constant 0 : index
        %get3A_64 = tpu.vector_load %arg12[%get3A_62, %get3A_63] {strides = array<i32>} : memref<80x128xf32, #tpu.memory_space<vmem>>, vector<1x16xf32>,
        %get3A_65 = vector.shape_cast %get3A_64 : vector<1x16xf32> to vector<16xf32>
        %mul3A_66 = arith.mulf %get3A_61, %get3A_65 : vector<16xf32>
        %swap3A = arith.index_cast %scan3A_58 : i32 to index
        %swap3A_67 = arith.constant 0 : index
        %swap3A_68 = tpu.vector_load %arg13[%swap3A, %swap3A_67] {strides = array<i32>} : memref<80x128xf32, #tpu.memory_space<vmem>>, vector<1x16xf32>,
        %swap3A_69 = vector.shape_cast %swap3A_68 : vector<1x16xf32> to vector<16xf32>
        %swap3A_70 = vector.shape_cast %mul3A_66 : vector<16xf32> to vector<1x16xf32>
        tpu.vector_store %arg13[%swap3A, %swap3A_67], %swap3A_70 {strides = array<i32>} : memref<80x128xf32, #tpu.memory_space<vmem>>, vector<1x16xf32>,
        %get3A_71 = arith.index_cast %scan3A_58 : i32 to index
        %get3A_72 = arith.constant 16 : index
        %get3A_73 = tpu.vector_load %arg13[%get3A_71, %get3A_72] {strides = array<i32>} : memref<80x128xf32, #tpu.memory_space<vmem>>, vector<1x16xf32>,
        %get3A_74 = vector.shape_cast %get3A_73 : vector<1x16xf32> to vector<16xf32>
        %get3A_75 = arith.index_cast %scan3A_58 : i32 to index
        %get3A_76 = arith.constant 16 : index
        %get3A_77 = tpu.vector_load %arg12[%get3A_75, %get3A_76] {strides = array<i32>} : memref<80x128xf32, #tpu.memory_space<vmem>>, vector<1x16xf32>,
        %get3A_78 = vector.shape_cast %get3A_77 : vector<1x16xf32> to vector<16xf32>
        %mul3A_79 = arith.mulf %get3A_74, %get3A_78 : vector<16xf32>
        %swap3A_80 = arith.index_cast %scan3A_58 : i32 to index
        %swap3A_81 = arith.constant 16 : index
        %swap3A_82 = tpu.vector_load %arg13[%swap3A_80, %swap3A_81] {strides = array<i32>} : memref<80x128xf32, #tpu.memory_space<vmem>>, vector<1x16xf32>,
        %swap3A_83 = vector.shape_cast %swap3A_82 : vector<1x16xf32> to vector<16xf32>
        %swap3A_84 = vector.shape_cast %mul3A_79 : vector<16xf32> to vector<1x16xf32>
        tpu.vector_store %arg13[%swap3A_80, %swap3A_81], %swap3A_84 {strides = array<i32>} : memref<80x128xf32, #tpu.memory_space<vmem>>, vector<1x16xf32>,
        %get3A_85 = arith.index_cast %scan3A_58 : i32 to index
        %get3A_86 = arith.constant 32 : index
        %get3A_87 = tpu.vector_load %arg13[%get3A_85, %get3A_86] {strides = array<i32>} : memref<80x128xf32, #tpu.memory_space<vmem>>, vector<1x16xf32>,
        %get3A_88 = vector.shape_cast %get3A_87 : vector<1x16xf32> to vector<16xf32>
        %get3A_89 = arith.index_cast %scan3A_58 : i32 to index
        %get3A_90 = arith.constant 32 : index
        %get3A_91 = tpu.vector_load %arg12[%get3A_89, %get3A_90] {strides = array<i32>} : memref<80x128xf32, #tpu.memory_space<vmem>>, vector<1x16xf32>,
        %get3A_92 = vector.shape_cast %get3A_91 : vector<1x16xf32> to vector<16xf32>
        %mul3A_93 = arith.mulf %get3A_88, %get3A_92 : vector<16xf32>
        %swap3A_94 = arith.index_cast %scan3A_58 : i32 to index
        %swap3A_95 = arith.constant 32 : index
        %swap3A_96 = tpu.vector_load %arg13[%swap3A_94, %swap3A_95] {strides = array<i32>} : memref<80x128xf32, #tpu.memory_space<vmem>>, vector<1x16xf32>,
        %swap3A_97 = vector.shape_cast %swap3A_96 : vector<1x16xf32> to vector<16xf32>
        %swap3A_98 = vector.shape_cast %mul3A_93 : vector<16xf32> to vector<1x16xf32>
        tpu.vector_store %arg13[%swap3A_94, %swap3A_95], %swap3A_98 {strides = array<i32>} : memref<80x128xf32, #tpu.memory_space<vmem>>, vector<1x16xf32>,
        %get3A_99 = arith.index_cast %scan3A_58 : i32 to index
        %get3A_100 = arith.constant 48 : index
        %get3A_101 = tpu.vector_load %arg13[%get3A_99, %get3A_100] {strides = array<i32>} : memref<80x128xf32, #tpu.memory_space<vmem>>, vector<1x16xf32>,
        %get3A_102 = vector.shape_cast %get3A_101 : vector<1x16xf32> to vector<16xf32>
        %get3A_103 = arith.index_cast %scan3A_58 : i32 to index
        %get3A_104 = arith.constant 48 : index
        %get3A_105 = tpu.vector_load %arg12[%get3A_103, %get3A_104] {strides = array<i32>} : memref<80x128xf32, #tpu.memory_space<vmem>>, vector<1x16xf32>,
        %get3A_106 = vector.shape_cast %get3A_105 : vector<1x16xf32> to vector<16xf32>
        %mul3A_107 = arith.mulf %get3A_102, %get3A_106 : vector<16xf32>
        %swap3A_108 = arith.index_cast %scan3A_58 : i32 to index
        %swap3A_109 = arith.constant 48 : index
        %swap3A_110 = tpu.vector_load %arg13[%swap3A_108, %swap3A_109] {strides = array<i32>} : memref<80x128xf32, #tpu.memory_space<vmem>>, vector<1x16xf32>,
        %swap3A_111 = vector.shape_cast %swap3A_110 : vector<1x16xf32> to vector<16xf32>
        %swap3A_112 = vector.shape_cast %mul3A_107 : vector<16xf32> to vector<1x16xf32>
        tpu.vector_store %arg13[%swap3A_108, %swap3A_109], %swap3A_112 {strides = array<i32>} : memref<80x128xf32, #tpu.memory_space<vmem>>, vector<1x16xf32>,
        %get3A_113 = arith.index_cast %scan3A_58 : i32 to index
        %get3A_114 = arith.constant 64 : index
        %get3A_115 = tpu.vector_load %arg13[%get3A_113, %get3A_114] {strides = array<i32>} : memref<80x128xf32, #tpu.memory_space<vmem>>, vector<1x16xf32>,
        %get3A_116 = vector.shape_cast %get3A_115 : vector<1x16xf32> to vector<16xf32>
        %get3A_117 = arith.index_cast %scan3A_58 : i32 to index
        %get3A_118 = arith.constant 64 : index
        %get3A_119 = tpu.vector_load %arg12[%get3A_117, %get3A_118] {strides = array<i32>} : memref<80x128xf32, #tpu.memory_space<vmem>>, vector<1x16xf32>,
        %get3A_120 = vector.shape_cast %get3A_119 : vector<1x16xf32> to vector<16xf32>
        %mul3A_121 = arith.mulf %get3A_116, %get3A_120 : vector<16xf32>
        %swap3A_122 = arith.index_cast %scan3A_58 : i32 to index
        %swap3A_123 = arith.constant 64 : index
        %swap3A_124 = tpu.vector_load %arg13[%swap3A_122, %swap3A_123] {strides = array<i32>} : memref<80x128xf32, #tpu.memory_space<vmem>>, vector<1x16xf32>,
        %swap3A_125 = vector.shape_cast %swap3A_124 : vector<1x16xf32> to vector<16xf32>
        %swap3A_126 = vector.shape_cast %mul3A_121 : vector<16xf32> to vector<1x16xf32>
        tpu.vector_store %arg13[%swap3A_122, %swap3A_123], %swap3A_126 {strides = array<i32>} : memref<80x128xf32, #tpu.memory_space<vmem>>, vector<1x16xf32>,
        %get3A_127 = arith.index_cast %scan3A_58 : i32 to index
        %get3A_128 = arith.constant 80 : index
        %get3A_129 = tpu.vector_load %arg13[%get3A_127, %get3A_128] {strides = array<i32>} : memref<80x128xf32, #tpu.memory_space<vmem>>, vector<1x16xf32>,
        %get3A_130 = vector.shape_cast %get3A_129 : vector<1x16xf32> to vector<16xf32>
        %get3A_131 = arith.index_cast %scan3A_58 : i32 to index
        %get3A_132 = arith.constant 80 : index
        %get3A_133 = tpu.vector_load %arg12[%get3A_131, %get3A_132] {strides = array<i32>} : memref<80x128xf32, #tpu.memory_space<vmem>>, vector<1x16xf32>,
        %get3A_134 = vector.shape_cast %get3A_133 : vector<1x16xf32> to vector<16xf32>
        %mul3A_135 = arith.mulf %get3A_130, %get3A_134 : vector<16xf32>
        %swap3A_136 = arith.index_cast %scan3A_58 : i32 to index
        %swap3A_137 = arith.constant 80 : index
        %swap3A_138 = tpu.vector_load %arg13[%swap3A_136, %swap3A_137] {strides = array<i32>} : memref<80x128xf32, #tpu.memory_space<vmem>>, vector<1x16xf32>,
        %swap3A_139 = vector.shape_cast %swap3A_138 : vector<1x16xf32> to vector<16xf32>
        %swap3A_140 = vector.shape_cast %mul3A_135 : vector<16xf32> to vector<1x16xf32>
        tpu.vector_store %arg13[%swap3A_136, %swap3A_137], %swap3A_140 {strides = array<i32>} : memref<80x128xf32, #tpu.memory_space<vmem>>, vector<1x16xf32>,
        %get3A_141 = arith.index_cast %scan3A_58 : i32 to index
        %get3A_142 = arith.constant 96 : index
        %get3A_143 = tpu.vector_load %arg13[%get3A_141, %get3A_142] {strides = array<i32>} : memref<80x128xf32, #tpu.memory_space<vmem>>, vector<1x16xf32>,
        %get3A_144 = vector.shape_cast %get3A_143 : vector<1x16xf32> to vector<16xf32>
        %get3A_145 = arith.index_cast %scan3A_58 : i32 to index
        %get3A_146 = arith.constant 96 : index
        %get3A_147 = tpu.vector_load %arg12[%get3A_145, %get3A_146] {strides = array<i32>} : memref<80x128xf32, #tpu.memory_space<vmem>>, vector<1x16xf32>,
        %get3A_148 = vector.shape_cast %get3A_147 : vector<1x16xf32> to vector<16xf32>
        %mul3A_149 = arith.mulf %get3A_144, %get3A_148 : vector<16xf32>
        %swap3A_150 = arith.index_cast %scan3A_58 : i32 to index
        %swap3A_151 = arith.constant 96 : index
        %swap3A_152 = tpu.vector_load %arg13[%swap3A_150, %swap3A_151] {strides = array<i32>} : memref<80x128xf32, #tpu.memory_space<vmem>>, vector<1x16xf32>,
        %swap3A_153 = vector.shape_cast %swap3A_152 : vector<1x16xf32> to vector<16xf32>
        %swap3A_154 = vector.shape_cast %mul3A_149 : vector<16xf32> to vector<1x16xf32>
        tpu.vector_store %arg13[%swap3A_150, %swap3A_151], %swap3A_154 {strides = array<i32>} : memref<80x128xf32, #tpu.memory_space<vmem>>, vector<1x16xf32>,
        %get3A_155 = arith.index_cast %scan3A_58 : i32 to index
        %get3A_156 = arith.constant 112 : index
        %get3A_157 = tpu.vector_load %arg13[%get3A_155, %get3A_156] {strides = array<i32>} : memref<80x128xf32, #tpu.memory_space<vmem>>, vector<1x16xf32>,
        %get3A_158 = vector.shape_cast %get3A_157 : vector<1x16xf32> to vector<16xf32>
        %get3A_159 = arith.index_cast %scan3A_58 : i32 to index
        %get3A_160 = arith.constant 112 : index
        %get3A_161 = tpu.vector_load %arg12[%get3A_159, %get3A_160] {strides = array<i32>} : memref<80x128xf32, #tpu.memory_space<vmem>>, vector<1x16xf32>,
        %get3A_162 = vector.shape_cast %get3A_161 : vector<1x16xf32> to vector<16xf32>
        %mul3A_163 = arith.mulf %get3A_158, %get3A_162 : vector<16xf32>
        %swap3A_164 = arith.index_cast %scan3A_58 : i32 to index
        %swap3A_165 = arith.constant 112 : index
        %swap3A_166 = tpu.vector_load %arg13[%swap3A_164, %swap3A_165] {strides = array<i32>} : memref<80x128xf32, #tpu.memory_space<vmem>>, vector<1x16xf32>,
        %swap3A_167 = vector.shape_cast %swap3A_166 : vector<1x16xf32> to vector<16xf32>
        %swap3A_168 = vector.shape_cast %mul3A_163 : vector<16xf32> to vector<1x16xf32>
        tpu.vector_store %arg13[%swap3A_164, %swap3A_165], %swap3A_168 {strides = array<i32>} : memref<80x128xf32, #tpu.memory_space<vmem>>, vector<1x16xf32>,
      }
      %scan3A_57 = arith.constant 80 : i32
      "tpu.region"() ({
        %run_scoped3A = tpu.sem_alloc : memref<!tpu.dma_semaphore, #tpu.memory_space<semaphore_mem>>
        %dma_start3A_58 = arith.constant 0 : i32
        %dma_start3A_59 = arith.constant 0 : i32
        %dma_start3A_60 = tpu.memref_slice %arg15[%dma_start3A_58, %dma_start3A_59] : memref<10240x128xf32, #tpu.memory_space<vmem_shared>> -> memref<10240x128xf32, #tpu.memory_space<vmem_shared>>
        tpu.enqueue_indirect_dma source(%arg13 : memref<80x128xf32, #tpu.memory_space<vmem>>) target(%dma_start3A_60 : memref<10240x128xf32, #tpu.memory_space<vmem_shared>>) offsets(%arg11 : memref<80xi32, #tpu.memory_space<vmem>>) semaphore(%run_scoped3A : memref<!tpu.dma_semaphore, #tpu.memory_space<semaphore_mem>>) {add = true}
        %dma_wait3A_61 = arith.constant 0 : i32
        %dma_wait3A_62 = arith.constant 0 : i32
        %dma_wait3A_63 = tpu.memref_slice %arg15[%dma_wait3A_61, %dma_wait3A_62] : memref<10240x128xf32, #tpu.memory_space<vmem_shared>> -> memref<10240x128xf32, #tpu.memory_space<vmem_shared>>
        tpu.wait_indirect_dma semaphore(%run_scoped3A : memref<!tpu.dma_semaphore, #tpu.memory_space<semaphore_mem>>) src(%arg13 : memref<80x128xf32, #tpu.memory_space<vmem>>) dst(%dma_wait3A_63 : memref<10240x128xf32, #tpu.memory_space<vmem_shared>>)
        tpu.yield
      }) : () -> ()
    }
    %scan3A_38 = arith.constant 4 : i32
    %barrier3A_39 = arith.constant 0 : index
    tpu.barrier barrier_id(%barrier3A_39)
    %mul3A_40 = arith.constant 640 : i32
    %mul3A_41 = arith.muli %arg1, %mul3A_40 : i32
    %mul3A_42 = arith.constant 640 : i32
    %mul3A_43 = arith.muli %arg1, %mul3A_42 : i32
    "tpu.region"() ({
      %run_scoped3A = tpu.sem_alloc : memref<!tpu.dma_semaphore, #tpu.memory_space<semaphore_mem>>
      %dma_start3A = arith.constant 0 : i32
      %dma_start3A_44 = tpu.memref_slice %arg9[%arg0, %mul3A_43, %dma_start3A] : memref<2x10240x128xf32, #tpu.memory_space<hbm>> -> memref<1x640x128xf32, #tpu.memory_space<hbm>>
      %dma_start3A_45 = tpu.memref_squeeze %dma_start3A_44 : memref<1x640x128xf32, #tpu.memory_space<hbm>> -> memref<640x128xf32, #tpu.memory_space<hbm>>
      %dma_start3A_46 = arith.constant 0 : i32
      %dma_start3A_47 = tpu.memref_slice %arg15[%mul3A_41, %dma_start3A_46] : memref<10240x128xf32, #tpu.memory_space<vmem_shared>> -> memref<640x128xf32, #tpu.memory_space<vmem_shared>>
      tpu.enqueue_dma source(%dma_start3A_47 : memref<640x128xf32, #tpu.memory_space<vmem_shared>>) target(%dma_start3A_45 : memref<640x128xf32, #tpu.memory_space<hbm>>) target_semaphore(%run_scoped3A : memref<!tpu.dma_semaphore, #tpu.memory_space<semaphore_mem>>)
      %dma_wait3A = arith.constant 0 : i32
      %dma_wait3A_48 = tpu.memref_slice %arg9[%arg0, %mul3A_43, %dma_wait3A] : memref<2x10240x128xf32, #tpu.memory_space<hbm>> -> memref<1x640x128xf32, #tpu.memory_space<hbm>>
      %dma_wait3A_49 = tpu.memref_squeeze %dma_wait3A_48 : memref<1x640x128xf32, #tpu.memory_space<hbm>> -> memref<640x128xf32, #tpu.memory_space<hbm>>
      %dma_wait3A_50 = arith.constant 0 : i32
      %dma_wait3A_51 = tpu.memref_slice %arg15[%mul3A_41, %dma_wait3A_50] : memref<10240x128xf32, #tpu.memory_space<vmem_shared>> -> memref<640x128xf32, #tpu.memory_space<vmem_shared>>
      tpu.wait_dma2 semaphore(%run_scoped3A : memref<!tpu.dma_semaphore, #tpu.memory_space<semaphore_mem>>) src(%dma_wait3A_51 : memref<640x128xf32, #tpu.memory_space<vmem_shared>>) dst(%dma_wait3A_49 : memref<640x128xf32, #tpu.memory_space<hbm>>)
      tpu.yield
    }) : () -> ()
    return
  }
}

module attributes {stable_mosaic.version = 14 : i64} {
  func.func @_node_body(%arg0: i32, %arg1: memref<2000x128xf32, #tpu.memory_space<vmem>>, %arg2: memref<2000x1xi32, #tpu.memory_space<vmem>>, %arg3: memref<128x128xf32, #tpu.memory_space<vmem>>, %arg4: memref<3x128xf32, #tpu.memory_space<vmem>>, %arg5: memref<2000x128xf32, #tpu.memory_space<vmem>>, %arg6: memref<2000x128xf32, #tpu.memory_space<vmem>>) attributes {dimension_semantics = [#tpu.dimension_semantics<arbitrary>], iteration_bounds = array<i64: 5>, scalar_prefetch = 0 : i64, scratch_operands = 0 : i64, tpu.core_type = #tpu.core_type<tc>, window_params = [{transform_indices = @transform_0, window_bounds = array<i64: 2000, 128>}, {transform_indices = @transform_1, window_bounds = array<i64: 2000, 1>}, {pipeline_mode = #tpu.pipeline_mode<synchronous>, transform_indices = @transform_2, window_bounds = array<i64: 128, 128>}, {pipeline_mode = #tpu.pipeline_mode<synchronous>, transform_indices = @transform_3, window_bounds = array<i64: 3, 128>}, {transform_indices = @transform_4, window_bounds = array<i64: 2000, 128>}, {transform_indices = @transform_5, window_bounds = array<i64: 2000, 128>}]} {
    %get3A = arith.constant 0 : index
    %get3A_0 = arith.constant 0 : index
    %get3A_1 = vector.load %arg1[%get3A, %get3A_0] : memref<2000x128xf32, #tpu.memory_space<vmem>>, vector<2000x128xf32>
    %get3A_2 = arith.constant 0 : index
    %get3A_3 = arith.constant 0 : index
    %get3A_4 = vector.load %arg3[%get3A_2, %get3A_3] : memref<128x128xf32, #tpu.memory_space<vmem>>, vector<128x128xf32>
    %dot_general3A = arith.constant dense<0.000000e+00> : vector<2000x128xf32>
    %dot_general3A_5 = tpu.matmul %get3A_1, %get3A_4, %dot_general3A {dimension_numbers = #tpu.dot_dimension_numbers<[1], [0], [0], [1], [0, 0, 1, 1], [], []>, transpose_lhs_hint = false} : vector<2000x128xf32>, vector<128x128xf32>, vector<2000x128xf32> -> vector<2000x128xf32>
    %swap3A = arith.constant 0 : index
    %swap3A_6 = arith.constant 0 : index
    %swap3A_7 = vector.load %arg5[%swap3A, %swap3A_6] : memref<2000x128xf32, #tpu.memory_space<vmem>>, vector<2000x128xf32>
    tpu.vector_store %arg5[%swap3A, %swap3A_6], %dot_general3A_5 {strides = array<i32>} : memref<2000x128xf32, #tpu.memory_space<vmem>>, vector<2000x128xf32>,
    %get3A_8 = arith.constant 0 : index
    %get3A_9 = arith.constant 0 : index
    %get3A_10 = vector.load %arg2[%get3A_8, %get3A_9] : memref<2000x1xi32, #tpu.memory_space<vmem>>, vector<2000x1xi32>
    %iota3A = tpu.iota {dimensions = array<i32: 1>} : vector<1x3xi32>
    %eq3A = vector.broadcast %get3A_10 : vector<2000x1xi32> to vector<2000x3xi32>
    %eq3A_11 = vector.broadcast %iota3A : vector<1x3xi32> to vector<2000x3xi32>
    %eq3A_12 = arith.cmpi eq, %eq3A, %eq3A_11 : vector<2000x3xi32>
    %convert_element_type3A = arith.extui %eq3A_12 : vector<2000x3xi1> to vector<2000x3xi32>
    %convert_element_type3A_13 = arith.sitofp %convert_element_type3A : vector<2000x3xi32> to vector<2000x3xf32>
    %get3A_14 = arith.constant 0 : index
    %get3A_15 = arith.constant 0 : index
    %get3A_16 = vector.load %arg4[%get3A_14, %get3A_15] : memref<3x128xf32, #tpu.memory_space<vmem>>, vector<3x128xf32>
    %dot_general3A_17 = arith.constant dense<0.000000e+00> : vector<2000x128xf32>
    %dot_general3A_18 = tpu.matmul %convert_element_type3A_13, %get3A_16, %dot_general3A_17 {dimension_numbers = #tpu.dot_dimension_numbers<[1], [0], [0], [1], [0, 0, 1, 1], [], []>, transpose_lhs_hint = false} : vector<2000x3xf32>, vector<3x128xf32>, vector<2000x128xf32> -> vector<2000x128xf32>
    %swap3A_19 = arith.constant 0 : index
    %swap3A_20 = arith.constant 0 : index
    %swap3A_21 = vector.load %arg6[%swap3A_19, %swap3A_20] : memref<2000x128xf32, #tpu.memory_space<vmem>>, vector<2000x128xf32>
    tpu.vector_store %arg6[%swap3A_19, %swap3A_20], %dot_general3A_18 {strides = array<i32>} : memref<2000x128xf32, #tpu.memory_space<vmem>>, vector<2000x128xf32>,
    return
  }
  func.func @transform_0(%arg0: i32) -> (i32, i32) {
    %c0_i32 = arith.constant 0 : i32
    %c0_i32_0 = arith.constant 0 : i32
    return %arg0, %c0_i32 : i32, i32
  }
  func.func @transform_1(%arg0: i32) -> (i32, i32) {
    %c0_i32 = arith.constant 0 : i32
    %c0_i32_0 = arith.constant 0 : i32
    return %arg0, %c0_i32 : i32, i32
  }
  func.func @transform_2(%arg0: i32) -> (i32, i32) {
    %c0_i32 = arith.constant 0 : i32
    %c0_i32_0 = arith.constant 0 : i32
    %c0_i32_1 = arith.constant 0 : i32
    return %c0_i32, %c0_i32_0 : i32, i32
  }
  func.func @transform_3(%arg0: i32) -> (i32, i32) {
    %c0_i32 = arith.constant 0 : i32
    %c0_i32_0 = arith.constant 0 : i32
    %c0_i32_1 = arith.constant 0 : i32
    return %c0_i32, %c0_i32_0 : i32, i32
  }
  func.func @transform_4(%arg0: i32) -> (i32, i32) {
    %c0_i32 = arith.constant 0 : i32
    %c0_i32_0 = arith.constant 0 : i32
    return %arg0, %c0_i32 : i32, i32
  }
  func.func @transform_5(%arg0: i32) -> (i32, i32) {
    %c0_i32 = arith.constant 0 : i32
    %c0_i32_0 = arith.constant 0 : i32
    return %arg0, %c0_i32 : i32, i32
  }
}

module attributes {stable_mosaic.version = 14 : i64} {
  func.func @_filter_body(%arg0: i32, %arg1: memref<3200x50xf32, #tpu.memory_space<vmem>>, %arg2: memref<3200x1xf32, #tpu.memory_space<vmem>>, %arg3: memref<50x128xf32, #tpu.memory_space<vmem>>, %arg4: memref<1x128xf32, #tpu.memory_space<vmem>>, %arg5: memref<128x128xf32, #tpu.memory_space<vmem>>, %arg6: memref<1x128xf32, #tpu.memory_space<vmem>>, %arg7: memref<3200x128xf32, #tpu.memory_space<vmem>>) attributes {dimension_semantics = [#tpu.dimension_semantics<arbitrary>], iteration_bounds = array<i64: 100>, scalar_prefetch = 0 : i64, scratch_operands = 0 : i64, tpu.core_type = #tpu.core_type<tc>, window_params = [{transform_indices = @transform_0, window_bounds = array<i64: 3200, 50>}, {transform_indices = @transform_1, window_bounds = array<i64: 3200, 1>}, {pipeline_mode = #tpu.pipeline_mode<synchronous>, transform_indices = @transform_2, window_bounds = array<i64: 50, 128>}, {pipeline_mode = #tpu.pipeline_mode<synchronous>, transform_indices = @transform_3, window_bounds = array<i64: 1, 128>}, {pipeline_mode = #tpu.pipeline_mode<synchronous>, transform_indices = @transform_4, window_bounds = array<i64: 128, 128>}, {pipeline_mode = #tpu.pipeline_mode<synchronous>, transform_indices = @transform_5, window_bounds = array<i64: 1, 128>}, {transform_indices = @transform_6, window_bounds = array<i64: 3200, 128>}]} {
    %get3A = arith.constant 0 : index
    %get3A_0 = arith.constant 0 : index
    %get3A_1 = vector.load %arg1[%get3A, %get3A_0] : memref<3200x50xf32, #tpu.memory_space<vmem>>, vector<3200x50xf32>
    %get3A_2 = arith.constant 0 : index
    %get3A_3 = arith.constant 0 : index
    %get3A_4 = vector.load %arg3[%get3A_2, %get3A_3] : memref<50x128xf32, #tpu.memory_space<vmem>>, vector<50x128xf32>
    %dot_general3A = arith.constant dense<0.000000e+00> : vector<3200x128xf32>
    %dot_general3A_5 = tpu.matmul %get3A_1, %get3A_4, %dot_general3A {dimension_numbers = #tpu.dot_dimension_numbers<[1], [0], [0], [1], [0, 0, 1, 1], [], []>, transpose_lhs_hint = false} : vector<3200x50xf32>, vector<50x128xf32>, vector<3200x128xf32> -> vector<3200x128xf32>
    %get3A_6 = arith.constant 0 : index
    %get3A_7 = arith.constant 0 : index
    %get3A_8 = vector.load %arg4[%get3A_6, %get3A_7] : memref<1x128xf32, #tpu.memory_space<vmem>>, vector<1x128xf32>
    %add3A = vector.broadcast %get3A_8 : vector<1x128xf32> to vector<3200x128xf32>
    %add3A_9 = arith.addf %dot_general3A_5, %add3A : vector<3200x128xf32>
    %tanh3A = math.tanh %add3A_9 : vector<3200x128xf32>
    %get3A_10 = arith.constant 0 : index
    %get3A_11 = arith.constant 0 : index
    %get3A_12 = vector.load %arg5[%get3A_10, %get3A_11] : memref<128x128xf32, #tpu.memory_space<vmem>>, vector<128x128xf32>
    %dot_general3A_13 = arith.constant dense<0.000000e+00> : vector<3200x128xf32>
    %dot_general3A_14 = tpu.matmul %tanh3A, %get3A_12, %dot_general3A_13 {dimension_numbers = #tpu.dot_dimension_numbers<[1], [0], [0], [1], [0, 0, 1, 1], [], []>, transpose_lhs_hint = false} : vector<3200x128xf32>, vector<128x128xf32>, vector<3200x128xf32> -> vector<3200x128xf32>
    %get3A_15 = arith.constant 0 : index
    %get3A_16 = arith.constant 0 : index
    %get3A_17 = vector.load %arg6[%get3A_15, %get3A_16] : memref<1x128xf32, #tpu.memory_space<vmem>>, vector<1x128xf32>
    %add3A_18 = vector.broadcast %get3A_17 : vector<1x128xf32> to vector<3200x128xf32>
    %add3A_19 = arith.addf %dot_general3A_14, %add3A_18 : vector<3200x128xf32>
    %get3A_20 = arith.constant 0 : index
    %get3A_21 = arith.constant 0 : index
    %get3A_22 = vector.load %arg2[%get3A_20, %get3A_21] : memref<3200x1xf32, #tpu.memory_space<vmem>>, vector<3200x1xf32>
    %mul3A = arith.constant 3.14159274 : f32
    %mul3A_23 = vector.broadcast %mul3A : f32 to vector<3200x1xf32>
    %mul3A_24 = arith.mulf %mul3A_23, %get3A_22 : vector<3200x1xf32>
    %div3A = arith.constant 1.000000e+01 : f32
    %div3A_25 = vector.broadcast %div3A : f32 to vector<3200x1xf32>
    %div3A_26 = arith.divf %mul3A_24, %div3A_25 : vector<3200x1xf32>
    %cos3A = math.cos %div3A_26 : vector<3200x1xf32>
    %add3A_27 = arith.constant 1.000000e+00 : f32
    %add3A_28 = vector.broadcast %add3A_27 : f32 to vector<3200x1xf32>
    %add3A_29 = arith.addf %cos3A, %add3A_28 : vector<3200x1xf32>
    %mul3A_30 = arith.constant 5.000000e-01 : f32
    %mul3A_31 = vector.broadcast %mul3A_30 : f32 to vector<3200x1xf32>
    %mul3A_32 = arith.mulf %mul3A_31, %add3A_29 : vector<3200x1xf32>
    %lt3A = arith.constant 1.000000e+01 : f32
    %lt3A_33 = vector.broadcast %lt3A : f32 to vector<3200x1xf32>
    %lt3A_34 = arith.cmpf olt, %get3A_22, %lt3A_33 : vector<3200x1xf32>
    %jit3A = arith.constant 0.000000e+00 : f32
    %broadcast_in_dim3A = vector.broadcast %jit3A : f32 to vector<3200x1xf32>
    %select_n3A = arith.select %lt3A_34, %mul3A_32, %broadcast_in_dim3A : vector<3200x1xi1>, vector<3200x1xf32>
    %mul3A_35 = vector.broadcast %select_n3A : vector<3200x1xf32> to vector<3200x128xf32>
    %mul3A_36 = arith.mulf %add3A_19, %mul3A_35 : vector<3200x128xf32>
    %swap3A = arith.constant 0 : index
    %swap3A_37 = arith.constant 0 : index
    %swap3A_38 = vector.load %arg7[%swap3A, %swap3A_37] : memref<3200x128xf32, #tpu.memory_space<vmem>>, vector<3200x128xf32>
    tpu.vector_store %arg7[%swap3A, %swap3A_37], %mul3A_36 {strides = array<i32>} : memref<3200x128xf32, #tpu.memory_space<vmem>>, vector<3200x128xf32>,
    return
  }
  func.func @transform_0(%arg0: i32) -> (i32, i32) {
    %c0_i32 = arith.constant 0 : i32
    %c0_i32_0 = arith.constant 0 : i32
    return %arg0, %c0_i32 : i32, i32
  }
  func.func @transform_1(%arg0: i32) -> (i32, i32) {
    %c0_i32 = arith.constant 0 : i32
    %c0_i32_0 = arith.constant 0 : i32
    return %arg0, %c0_i32 : i32, i32
  }
  func.func @transform_2(%arg0: i32) -> (i32, i32) {
    %c0_i32 = arith.constant 0 : i32
    %c0_i32_0 = arith.constant 0 : i32
    %c0_i32_1 = arith.constant 0 : i32
    return %c0_i32, %c0_i32_0 : i32, i32
  }
  func.func @transform_3(%arg0: i32) -> (i32, i32) {
    %c0_i32 = arith.constant 0 : i32
    %c0_i32_0 = arith.constant 0 : i32
    %c0_i32_1 = arith.constant 0 : i32
    return %c0_i32, %c0_i32_0 : i32, i32
  }
  func.func @transform_4(%arg0: i32) -> (i32, i32) {
    %c0_i32 = arith.constant 0 : i32
    %c0_i32_0 = arith.constant 0 : i32
    %c0_i32_1 = arith.constant 0 : i32
    return %c0_i32, %c0_i32_0 : i32, i32
  }
  func.func @transform_5(%arg0: i32) -> (i32, i32) {
    %c0_i32 = arith.constant 0 : i32
    %c0_i32_0 = arith.constant 0 : i32
    %c0_i32_1 = arith.constant 0 : i32
    return %c0_i32, %c0_i32_0 : i32, i32
  }
  func.func @transform_6(%arg0: i32) -> (i32, i32) {
    %c0_i32 = arith.constant 0 : i32
    %c0_i32_0 = arith.constant 0 : i32
    return %arg0, %c0_i32 : i32, i32
  }
}

module attributes {stable_mosaic.version = 14 : i64} {
  func.func @_post_body(%arg0: i32, %arg1: memref<2x1024x128xf32, #tpu.memory_space<vmem>>, %arg2: memref<128x128xf32, #tpu.memory_space<vmem>>, %arg3: memref<1x128xf32, #tpu.memory_space<vmem>>, %arg4: memref<128x128xf32, #tpu.memory_space<vmem>>, %arg5: memref<1x128xf32, #tpu.memory_space<vmem>>, %arg6: memref<1024x128xf32, #tpu.memory_space<vmem>>) attributes {dimension_semantics = [#tpu.dimension_semantics<arbitrary>], iteration_bounds = array<i64: 10>, scalar_prefetch = 0 : i64, scratch_operands = 0 : i64, tpu.core_type = #tpu.core_type<tc>, window_params = [{transform_indices = @transform_0, window_bounds = array<i64: 2, 1024, 128>}, {pipeline_mode = #tpu.pipeline_mode<synchronous>, transform_indices = @transform_1, window_bounds = array<i64: 128, 128>}, {pipeline_mode = #tpu.pipeline_mode<synchronous>, transform_indices = @transform_2, window_bounds = array<i64: 1, 128>}, {pipeline_mode = #tpu.pipeline_mode<synchronous>, transform_indices = @transform_3, window_bounds = array<i64: 128, 128>}, {pipeline_mode = #tpu.pipeline_mode<synchronous>, transform_indices = @transform_4, window_bounds = array<i64: 1, 128>}, {transform_indices = @transform_5, window_bounds = array<i64: 1024, 128>}]} {
    %get3A = arith.constant 0 : index
    %get3A_0 = arith.constant 0 : index
    %get3A_1 = arith.constant 0 : index
    %get3A_2 = vector.load %arg1[%get3A, %get3A_0, %get3A_1] : memref<2x1024x128xf32, #tpu.memory_space<vmem>>, vector<1x1024x128xf32>
    %get3A_3 = vector.shape_cast %get3A_2 : vector<1x1024x128xf32> to vector<1024x128xf32>
    %get3A_4 = arith.constant 1 : index
    %get3A_5 = arith.constant 0 : index
    %get3A_6 = arith.constant 0 : index
    %get3A_7 = vector.load %arg1[%get3A_4, %get3A_5, %get3A_6] : memref<2x1024x128xf32, #tpu.memory_space<vmem>>, vector<1x1024x128xf32>
    %get3A_8 = vector.shape_cast %get3A_7 : vector<1x1024x128xf32> to vector<1024x128xf32>
    %add3A = arith.addf %get3A_3, %get3A_8 : vector<1024x128xf32>
    %get3A_9 = arith.constant 0 : index
    %get3A_10 = arith.constant 0 : index
    %get3A_11 = vector.load %arg2[%get3A_9, %get3A_10] : memref<128x128xf32, #tpu.memory_space<vmem>>, vector<128x128xf32>
    %dot_general3A = arith.constant dense<0.000000e+00> : vector<1024x128xf32>
    %dot_general3A_12 = tpu.matmul %add3A, %get3A_11, %dot_general3A {dimension_numbers = #tpu.dot_dimension_numbers<[1], [0], [0], [1], [0, 0, 1, 1], [], []>, transpose_lhs_hint = false} : vector<1024x128xf32>, vector<128x128xf32>, vector<1024x128xf32> -> vector<1024x128xf32>
    %get3A_13 = arith.constant 0 : index
    %get3A_14 = arith.constant 0 : index
    %get3A_15 = vector.load %arg3[%get3A_13, %get3A_14] : memref<1x128xf32, #tpu.memory_space<vmem>>, vector<1x128xf32>
    %add3A_16 = vector.broadcast %get3A_15 : vector<1x128xf32> to vector<1024x128xf32>
    %add3A_17 = arith.addf %dot_general3A_12, %add3A_16 : vector<1024x128xf32>
    %tanh3A = math.tanh %add3A_17 : vector<1024x128xf32>
    %get3A_18 = arith.constant 0 : index
    %get3A_19 = arith.constant 0 : index
    %get3A_20 = vector.load %arg4[%get3A_18, %get3A_19] : memref<128x128xf32, #tpu.memory_space<vmem>>, vector<128x128xf32>
    %dot_general3A_21 = arith.constant dense<0.000000e+00> : vector<1024x128xf32>
    %dot_general3A_22 = tpu.matmul %tanh3A, %get3A_20, %dot_general3A_21 {dimension_numbers = #tpu.dot_dimension_numbers<[1], [0], [0], [1], [0, 0, 1, 1], [], []>, transpose_lhs_hint = false} : vector<1024x128xf32>, vector<128x128xf32>, vector<1024x128xf32> -> vector<1024x128xf32>
    %get3A_23 = arith.constant 0 : index
    %get3A_24 = arith.constant 0 : index
    %get3A_25 = vector.load %arg5[%get3A_23, %get3A_24] : memref<1x128xf32, #tpu.memory_space<vmem>>, vector<1x128xf32>
    %add3A_26 = vector.broadcast %get3A_25 : vector<1x128xf32> to vector<1024x128xf32>
    %add3A_27 = arith.addf %dot_general3A_22, %add3A_26 : vector<1024x128xf32>
    %swap3A = arith.constant 0 : index
    %swap3A_28 = arith.constant 0 : index
    %swap3A_29 = vector.load %arg6[%swap3A, %swap3A_28] : memref<1024x128xf32, #tpu.memory_space<vmem>>, vector<1024x128xf32>
    tpu.vector_store %arg6[%swap3A, %swap3A_28], %add3A_27 {strides = array<i32>} : memref<1024x128xf32, #tpu.memory_space<vmem>>, vector<1024x128xf32>,
    return
  }
  func.func @transform_0(%arg0: i32) -> (i32, i32, i32) {
    %c0_i32 = arith.constant 0 : i32
    %c0_i32_0 = arith.constant 0 : i32
    %c0_i32_1 = arith.constant 0 : i32
    return %c0_i32, %arg0, %c0_i32_0 : i32, i32, i32
  }
  func.func @transform_1(%arg0: i32) -> (i32, i32) {
    %c0_i32 = arith.constant 0 : i32
    %c0_i32_0 = arith.constant 0 : i32
    %c0_i32_1 = arith.constant 0 : i32
    return %c0_i32, %c0_i32_0 : i32, i32
  }
  func.func @transform_2(%arg0: i32) -> (i32, i32) {
    %c0_i32 = arith.constant 0 : i32
    %c0_i32_0 = arith.constant 0 : i32
    %c0_i32_1 = arith.constant 0 : i32
    return %c0_i32, %c0_i32_0 : i32, i32
  }
  func.func @transform_3(%arg0: i32) -> (i32, i32) {
    %c0_i32 = arith.constant 0 : i32
    %c0_i32_0 = arith.constant 0 : i32
    %c0_i32_1 = arith.constant 0 : i32
    return %c0_i32, %c0_i32_0 : i32, i32
  }
  func.func @transform_4(%arg0: i32) -> (i32, i32) {
    %c0_i32 = arith.constant 0 : i32
    %c0_i32_0 = arith.constant 0 : i32
    %c0_i32_1 = arith.constant 0 : i32
    return %c0_i32, %c0_i32_0 : i32, i32
  }
  func.func @transform_5(%arg0: i32) -> (i32, i32) {
    %c0_i32 = arith.constant 0 : i32
    %c0_i32_0 = arith.constant 0 : i32
    return %arg0, %c0_i32 : i32, i32
  }
}

</mosaic_0001>

<sc_bundles>
// kernel: kernel.6.cloned.1.call-start
scs
__scs_entry_jumppad:
0x0: {  	(pc) =	sbr.rel $0x88, $3  }
0x1: {  	(tag) =	ssettag $0x0;
	lr =	simm.s32 $0x1  }
0x2: {  	[smem:$0x3F91] =	sst lr;
	_ =	strace $0xD0000000  }
0x3: {  	_ = 	snop  }
0x4: {  	_ = 	snop  }
0x5: {  	_ = 	snop  }
0x6: {  	_ = 	snop  }
0x7: {  	_ = 	snop  }
__scs_overlays_trampoline_lowered:
0x8: {  	[smem:$0x3FA0] =	sst s0  }
0x9: {  	[smem:$0x3FA1] =	sst s1  }
0xa: {  	[smem:$0x3FA2] =	sst s2  }
0xb: {  	[smem:$0x3FA3] =	sst s3  }
0xc: {  	[smem:$0x3FA4] =	sst s4  }
0xd: {  	[smem:$0x3FA5] =	sst s5  }
0xe: {  	[smem:$0x3FA6] =	sst s6  }
0xf: {  	[smem:$0x3FA7] =	sst s7  }
0x10: {  	[smem:$0x3FA8] =	sst s8  }
0x11: {  	[smem:$0x3FA9] =	sst s9;
	s0 =	simm.s32 @!p0 $0x0  }
0x12: {  	s1 =	sld [smem:$0x3F8F];
	s0 =	simm.s32 @p0 $0x1  }
0x13: {  	[smem:$0x3FAA] =	sst s0;
	s0 =	simm.s32 @!p1 $0x0  }
0x14: {  	s2 =	sld [smem:$0x3F8E];
	s0 =	simm.s32 @p1 $0x1  }
0x15: {  	[smem:$0x3FAB] =	sst s0;
	s0 =	simm.s32 @!p2 $0x0  }
0x16: {  	s3 =	sld [smem:$0x3FDB];
	s0 =	simm.s32 @p2 $0x1  }
0x17: {  	s4 =	simm.s32 $0x1BF5;
	[smem:$0x3FAD] =	sst s0  }
0x18: {  	s0 =	sld [smem:$0x3F90];
	_ =	swait.ge [sflag:s4], $0x0  }
0x19: {  	s7 =	sld [smem:$0x3F91]  }
0x1a: {  	s8 =	sadd.s32 $0xFFFFE003, lr  }
0x1b: {  	s9 =	sadd.s32 $0xFFFFFEF7, lr;
	s5 =	simm.s32 $0xFFFFFFFF;
	p2 =	slt.u32 s8, $0xFFFFF086  }
0x1c: {  	p1 =	slt.u32 s9, $0xF7A;
	s5 =	simm.s32 @!p2 $0x0  }
0x1d: {  	s5 =	simm.s32 @p1 $0x1;
	p0 =	seq.s32 s7, s2  }
0x1e: {  	s7 =	smul.u32 @!p0 $0xF7A, s2;
	p2 =	seq.s32 @!p0 s5, $0x0  }
0x1f: {  	s9 =	smul.u32 $0xF7A, s1;
	s8 =	simm.s32 @!p0 $0x1BF5;
	p2 =	por !p2, p0  }
0x20: {  	[sflag:s8] =	ssyncset.s32 @!p0 $0xFFFFF086;
	s6 =	sadd.s32 @!p0 s3, s7;
	s7 =	simm.s32 @!p0 $0x108  }
0x21: {  	s3 =	sadd.s32 s3, s9;
	s6 =	sadd.s32 @!p0 $0x88, s6;
	s7 =	simm.s32 @p2 $0x1082  }
0x22: {  	[simem:s7], [sflag:s8] =	dma.local @!p0 [hbm:s6], $0xF7A  }
0x23: {  	s9 =	sor.u32 $0xD0000000, s2;
	s6 =	simm.s32 $0x108;
	_ =	swait.ge @!p0 [sflag:s8], $0x0  }
0x24: {  	s3 =	sadd.s32 $0x88, s3;
	s6 =	simm.s32 @!p1 $0x1082;
	[sflag:s4] =	ssyncset.s32 $0xFFFFF086  }
0x25: {  	[simem:s6], [sflag:s4] =	dma.local [hbm:s3], $0xF7A  }
0x26: {  	[smem:$0x3F91] =	sst s1;
	(tag) =	ssettag s2;
	_ =	strace s9  }
0x27: {  	s1 =	sld [smem:$0x3FA1]  }
0x28: {  	s2 =	sld [smem:$0x3FA2]  }
0x29: {  	s4 =	sld [smem:$0x3FA4]  }
0x2a: {  	p0 =	seq.s32 s5, $0x0;
	s5 =	sld [smem:$0x3FA5]  }
0x2b: {  	s6 =	sld [smem:$0x3FA6]  }
0x2c: {  	s7 =	sld [smem:$0x3FA7]  }
0x2d: {  	s3 =	simm.s32 $0x108;
	s8 =	sld [smem:$0x3FA8]  }
0x2e: {  	s3 =	simm.s32 @!p0 $0x1082;
	s9 =	sld [smem:$0x3FA9]  }
0x2f: {  	lr =	sadd.s32 s0, s3;
	s0 =	sld [smem:$0x3FA0]  }
0x30: {  	s3 =	sld [smem:$0x3FA3]  }
0x31: {  	[smem:$0x3FAC] =	sst s10  }
0x32: {  	s10 =	sld [smem:$0x3FAA];
	_ =	sdelay $0x3  }
0x33: {  	p0 =	seq.s32 s10, $0x1;
	s10 =	sld [smem:$0x3FAC];
	_ =	sdelay $0x3  }
0x34: {  	[smem:$0x3FAC] =	sst s10  }
0x35: {  	s10 =	sld [smem:$0x3FAB];
	_ =	sdelay $0x3  }
0x36: {  	p1 =	seq.s32 s10, $0x1;
	s10 =	sld [smem:$0x3FAC];
	_ =	sdelay $0x3  }
0x37: {  	[smem:$0x3FAC] =	sst s10  }
0x38: {  	s10 =	sld [smem:$0x3FAD]  }
0x39: {  	_ = 	snop;
	(pc) =	sbr.ind lr, $3  }
0x3a: {  	_ = 	snop  }
0x3b: {  	_ = 	snop  }
0x3c: {  	p2 =	seq.s32 s10, $0x1;
	s10 =	sld [smem:$0x3FAC]  }
0x3d: {  	_ =	shalt  }
0x3e: {  	_ =	shalt  }
0x3f: {  	_ =	shalt  }
0x40: {  	_ =	shalt  }
0x41: {  	_ =	shalt  }
0x42: {  	_ =	shalt  }
0x43: {  	_ =	shalt  }
0x44: {  	_ =	shalt  }
0x45: {  	_ =	shalt  }
0x46: {  	_ =	shalt  }
0x47: {  	_ =	shalt  }
0x48: {  	_ =	shalt  }
0x49: {  	_ =	shalt  }
0x4a: {  	_ =	shalt  }
0x4b: {  	_ =	shalt  }
0x4c: {  	_ =	shalt  }
0x4d: {  	_ =	shalt  }
0x4e: {  	_ =	shalt  }
0x4f: {  	_ =	shalt  }
0x50: {  	_ =	shalt  }
0x51: {  	_ =	shalt  }
0x52: {  	_ =	shalt  }
0x53: {  	_ =	shalt  }
0x54: {  	_ =	shalt  }
0x55: {  	_ =	shalt  }
0x56: {  	_ =	shalt  }
0x57: {  	_ =	shalt  }
0x58: {  	_ =	shalt  }
0x59: {  	_ =	shalt  }
0x5a: {  	_ =	shalt  }
0x5b: {  	_ =	shalt  }
0x5c: {  	_ =	shalt  }
0x5d: {  	_ =	shalt  }
0x5e: {  	_ =	shalt  }
0x5f: {  	_ =	shalt  }
0x60: {  	_ =	shalt  }
0x61: {  	_ =	shalt  }
0x62: {  	_ =	shalt  }
0x63: {  	_ =	shalt  }
0x64: {  	_ =	shalt  }
0x65: {  	_ =	shalt  }
0x66: {  	_ =	shalt  }
0x67: {  	_ =	shalt  }
0x68: {  	_ =	shalt  }
0x69: {  	_ =	shalt  }
0x6a: {  	_ =	shalt  }
0x6b: {  	_ =	shalt  }
0x6c: {  	_ =	shalt  }
0x6d: {  	_ =	shalt  }
0x6e: {  	_ =	shalt  }
0x6f: {  	_ =	shalt  }
0x70: {  	_ =	shalt  }
0x71: {  	_ =	shalt  }
0x72: {  	_ =	shalt  }
0x73: {  	_ =	shalt  }
0x74: {  	_ =	shalt  }
0x75: {  	_ =	shalt  }
0x76: {  	_ =	shalt  }
0x77: {  	_ =	shalt  }
0x78: {  	_ =	shalt  }
0x79: {  	_ =	shalt  }
0x7a: {  	_ =	shalt  }
0x7b: {  	_ =	shalt  }
0x7c: {  	_ =	shalt  }
0x7d: {  	_ =	shalt  }
0x7e: {  	_ =	shalt  }
0x7f: {  	_ =	shalt  }
0x80: {  	_ =	shalt  }
0x81: {  	_ =	shalt  }
0x82: {  	_ =	shalt  }
0x83: {  	_ =	shalt  }
0x84: {  	_ =	shalt  }
0x85: {  	_ =	shalt  }
0x86: {  	_ =	shalt  }
0x87: {  	_ =	shalt  }
.Lfunc_end0:
.L_simem_size_0:
called_computation_lowered:
.L_overlay_start_0:
0x88: {  	s2 =	sld [smem:$0x3FD9]  }
0x89: {  	s3 =	sld [smem:$0x3FFE];
	_ =	sdelay $0x1  }
0x8a: {  	s1 =	srdreg.scid  }
0x8b: {  	s0 =	sand.u32 $0x1, s1  }
0x8c: {  	s17 =	sshll.u32 s0, $0xA;
	s2 =	sadd.s32 s3, s2  }
0x8d: {  	s2 =	sadd.s32 s2, s17  }
0x8e: {  	[smem:$0x3FB8] =	sst s2  }
0x8f: {  	_ = 	snop  }
0x90: {  	s2 =	sld [smem:$0x3FD0];
	(tm) =	ssettm $0x1  }
0x91: {  	s18 =	sld [smem:$0x3FFB];
	_ =	sdelay $0x3  }
0x92: {  	_ =	strace s18  }
0x93: {  	s3 =	sld [smem:$0x3FFC];
	_ =	sdelay $0x3  }
0x94: {  	_ =	strace s3  }
0x95: {  	s3 =	sld [smem:$0x3FFD];
	_ =	sdelay $0x3  }
0x96: {  	_ =	strace s3  }
0x97: {  	_ =	strace $0x8FFFFFFF  }
0x98: {  	s19 =	sld [smem:$0x3FDB];
	_ =	sdelay $0x1  }
0x99: {  	s4 =	simm.s32 $_scs_section_size  }
0x9a: {  	s5 =	simm.s32 $_size__tile_overlayer_lowered;
	s6 =	simm.s32 $_tile_overlayer_lowered  }
0x9b: {  	s22 =	simm.s32 $0x1BFF;
	s21 =	sshll.u32 s6, $0x1;
	s3 =	sadd.s32 s4, s19  }
0x9c: {  	s7 =	simm.s32 $0x0;
	s20 =	sshll.u32 s5, $0x1;
	s5 =	sadd.s32 s21, s3  }
0x9d: {  	[timem:s7], [sflag:s22] =	dma.local [hbm:s5], s20  }
0x9e: {  	_ =	swait.ge [sflag:s22], s20  }
0x9f: {  	s4 =	ssub.s32 $0x0, s20;
	[sflag:s22] =	ssyncset.done $0x0  }
0xa0: {  	[sflag:s22] =	ssyncadd.s32 s4;
	_ =	sdelay $0x1  }
0xa1: {  	s23 =	simm.s32 $0x1B8B  }
0xa2: {  	_ =	swait.ge [sflag:s23], $0x1  }
0xa3: {  	[sflag:s23] =	ssyncset.done $0x0  }
0xa4: {  	s25 =	simm.s32 $0x1B8E;
	s24 =	sld [smem:$0x3FFE];
	[sflag:s23] =	ssyncadd.s32 $0xFFFFFFFF  }
0xa5: {  	s26 =	simm.s32 $execute0_lowered;
	[smem:$0x3FD2] =	sst s25  }
0xa6: {  	s5 =	sshll.u32 s26, $0x1;
	_ =	strace $0x80000046;
	[dreg:$0x1] =	wrdreg $0xFFFFFFFF  }
0xa7: {  	s28 =	simm.s32 $_size_execute0_lowered;
	s3 =	sadd.s32 s3, s5;
	[dreg:$0x0] =	wrdreg $0x0  }
0xa8: {  	s5 =	sshll.u32 s28, $0x1;
	[dreg:$0x2] =	wrdreg s3  }
0xa9: {  	[dreg:$0x3] =	wrdreg s5  }
0xaa: {  	[dreg:$0x4] =	wrdreg $0xC0  }
0xab: {  	_ =	task [dreg:s7], $0x5FFFF  }
0xac: {  	[dreg:$0x1] =	wrdreg $0xFFFFFFFF  }
0xad: {  	[dreg:$0x0] =	wrdreg $0x60  }
0xae: {  	[dreg:$0x2] =	wrdreg s2  }
0xaf: {  	[dreg:$0x3] =	wrdreg s24  }
0xb0: {  	[dreg:$0x4] =	wrdreg $0xA1000  }
0xb1: {  	[dreg:$0x5] =	wrdreg $0x9  }
0xb2: {  	_ =	task.clear_ibuf [dreg:s7], $0x6FFFF;
	_ =	strace $0x90000046  }
0xb3: {  	s29 =	simm.s32 $0x9;
	_ =	strace $0x80000048  }
0xb4: {  	_ =	swait.ge [sflag:s29], $0x1  }
0xb5: {  	[sflag:s29] =	ssyncadd.s32 $0xFFFFFFFF  }
0xb6: {  	_ =	strace $0x90000048  }
0xb7: {  	_ =	sfence  }
0xb8: {  	s30 =	sld [smem:$0x0];
	_ =	sdelay $0x2  }
0xb9: {  	s31 =	sshll.u32 s1, $0xD;
	s1 =	sshrl.u32 s1, $0x2  }
0xba: {  	s3 =	sand.u32 $0x4000, s31;
	s1 =	sadd.s32 s1, s30  }
0xbb: {  	s0 =	sor.u32 s3, s0;
	s1 =	sshll.u32 s1, $0x11  }
0xbc: {  	s0 =	sor.u32 s1, s0  }
0xbd: {  	s0 =	sadd.s32 $0x8F2B, s0  }
0xbe: {  	[sflag:s0] =	ssyncadd.remote.s32 $0x1  }
0xbf: {  	_ =	sfence.sel $0xFFFF  }
0xc0: {  	[dreg:$0x0] =	wrdreg $0xFFFFFFFF;
	(pc) =	sbr.abs _section_cstart, $3  }
0xc1: {  	[dreg:$0x1] =	wrdreg $0xFFFFFFFF  }
0xc2: {  	_ =	task.clear_ibuf [dreg:s7], $0x2FFFF;
	_ =	strace $0x9FFFFFFF  }
0xc3: {  	(tm) =	ssettm $0x7FFFFFFF  }
tec
execute0_lowered:
.L_overlay_start_1:
0x0: {  	(tag) =	ssettag $0x1  }
0x1: {  	s1 =	rddreg [dreg:$0x0]  }
0x2: {  	s11 =	rddreg [dreg:$0x1]  }
0x3: {  	s2 =	rddreg [dreg:$0x2];
	s3 =	srdreg.scid  }
0x4: {  	s0 =	rddreg [dreg:$0x3];
	s4 =	simm.s32 $0x0;
	s19 =	simm.s32 $0x5100  }
0x5: {  	s20 =	simm.s32 $0x2;
	s21 =	simm.s32 $0x80;
	s22 =	simm.s32 $0x2900  }
0x6: {  	s23 =	simm.s32 $0x50;
	s24 =	simm.s32 $0x100;
	s25 =	simm.s32 $0x1  }
0x7: {  	s12 =	sand.u32 $0x1, s3;
	s3 =	stileid.u32;
	s5 =	sadd.s32 $0xA02800, s11  }
0x8: {  	[smem:$0x7FF] =	sst s4;
	s6 =	sadd.s32 $0x9CFE00, s11;
	s8 =	smul.u32 $0x140000, s12  }
0x9: {  	s7 =	sadd.s32 $0x9C6000, s11;
	s10 =	sadd.s32 $0x9DA200, s11;
	s9 =	smul.u32 $0x14000, s3  }
0xa: {  	s14 =	smul.u32 $0x50000, s3;
	s28 =	ssub.s32 $0x2, s12;
	s29 =	sshll.u32 s12, $0x4  }
0xb: {  	_ =	strace $0x80000047;
	s31 =	sshrl.u32 s28, $0x1;
	s16 =	sor.u32 s3, s29  }
0xc: {  	s9 =	sadd.s32 s9, s8;
	s8 =	sadd.s32 $0x9DA800, s11;
	s30 =	sshrl.u32 s14, $0x2  }
0xd: {  	s18 =	ssub.s32 s28, s31;
	s13 =	sshrl.u32 s9, $0x3;
	s9 =	sadd.s32 $0x9D9C00, s11  }
0xe: {  	s17 =	sadd.s32 s13, s11;
	s11 =	sadd.s32 s30, s2;
	s13 =	smul.u32 $0x2710, s16  }
0xf: {  	s18 =	smax.u32 s18, $0x1;
	s16 =	smul.u32 $0x140, s16;
	s12 =	sadd.s32 $0x5000, s11  }
0x10: {  	v0 =	vimm.f32 $0.0e+00;
	s14 =	sadd.s32 $0xA000, s11;
	s15 =	sadd.s32 $0xF000, s11;
	s17 =	sadd.s32 $0x2000, s17  }
.LBB2_1:
0x11: {  	s26 =	simm.s32 $0x0;
	s28 =	simm.s32 $0x200  }
.LBB2_2:
0x12: {  	p0 =	sne.s32 s28, $0x13E00;
	[tilespmem:s26+$0x5170] =	vst v0  }
0x13: {  	[tilespmem:s26+$0x5100] =	vst v0  }
0x14: {  	[tilespmem:s26+$0x5110] =	vst v0  }
.Ltmp0:
0x15: {  	[tilespmem:s26+$0x5120] =	vst v0;
	(pc) =	sbr.rel @p0 .LBB2_2-.Ltmp0, $4  }
0x16: {  	[tilespmem:s26+$0x5130] =	vst v0  }
0x17: {  	[tilespmem:s26+$0x5140] =	vst v0  }
0x18: {  	[tilespmem:s26+$0x5150] =	vst v0  }
0x19: {  	[tilespmem:s26+$0x5160] =	vst v0;
	s26 =	sshra.s32 s28, $0x2;
	s28 =	sadd.s32 $0x200, s28  }
0x1a: {  	[tilespmem:s26+$0x5170] =	vst v0  }
0x1b: {  	[tilespmem:s26+$0x5100] =	vst v0  }
0x1c: {  	[tilespmem:s26+$0x5110] =	vst v0  }
0x1d: {  	[tilespmem:s26+$0x5120] =	vst v0  }
0x1e: {  	[tilespmem:s26+$0x5130] =	vst v0  }
0x1f: {  	[tilespmem:s26+$0x5140] =	vst v0  }
0x20: {  	[tilespmem:s26+$0x5150] =	vst v0  }
0x21: {  	[tilespmem:s26+$0x5160] =	vst v0  }
0x22: {  	[spmem:s11] =	stream.linear.scatter [tilespmem:s19], [sflag:$0x2], $0x5000, $0x38;
	[tilespmem:$0x1E100] =	vst v63  }
0x23: {  	_ =	swait.ge [sflag:s20], $0x5000  }
0x24: {  	[sflag:s20] =	ssyncset.done $0x0  }
0x25: {  	[sflag:s20] =	ssyncadd.s32 $0xFFFFB000  }
0x26: {  	[spmem:s12] =	stream.linear.scatter [tilespmem:s19], [sflag:$0x2], $0x5000, $0x38;
	[tilespmem:$0x1E100] =	vst v63  }
0x27: {  	_ =	swait.ge [sflag:s20], $0x5000  }
0x28: {  	[sflag:s20] =	ssyncset.done $0x0  }
0x29: {  	[sflag:s20] =	ssyncadd.s32 $0xFFFFB000  }
0x2a: {  	[spmem:s14] =	stream.linear.scatter [tilespmem:s19], [sflag:$0x2], $0x5000, $0x38;
	[tilespmem:$0x1E100] =	vst v63  }
0x2b: {  	_ =	swait.ge [sflag:s20], $0x5000  }
0x2c: {  	[sflag:s20] =	ssyncset.done $0x0  }
0x2d: {  	[sflag:s20] =	ssyncadd.s32 $0xFFFFB000  }
0x2e: {  	[spmem:s15] =	stream.linear.scatter [tilespmem:s19], [sflag:$0x2], $0x5000, $0x38;
	[tilespmem:$0x1E100] =	vst v63  }
0x2f: {  	_ =	swait.ge [sflag:s20], $0x5000  }
0x30: {  	[sflag:s20] =	ssyncset.done $0x0  }
0x31: {  	[sflag:s20] =	ssyncadd.s32 $0xFFFFB000  }
0x32: {  	s28 =	simm.s32 $0x0;
	s29 =	simm.s32 $0x0;
	[bflag:$0x0] =	sbarrier.arrive $0xFFFF  }
.LBB2_4:
0x33: {  	s26 =	smul.u32 $0x50, s29;
	_ =	sdelay $0x1  }
0x34: {  	s26 =	sadd.s32 s13, s26  }
0x35: {  	s30 =	sshrl.u32 s26, $0x3  }
0x36: {  	s31 =	sadd.s32 s6, s30  }
0x37: {  	[tilespmem:s28], [sflag:$0x2] =	stream.linear.gather [hbm4b:s31+s28], $0x50, $0x38;
	[tilespmem:$0x1E100] =	vst v63  }
0x38: {  	_ =	swait.ge [sflag:s20], $0x50  }
0x39: {  	[sflag:s20] =	ssyncset.done $0x0  }
0x3a: {  	s30 =	sadd.s32 s7, s30;
	[sflag:s20] =	ssyncadd.s32 $0xFFFFFFB0  }
0x3b: {  	[tilespmem:s21], [sflag:$0x2] =	stream.linear.gather [hbm4b:s30+s28], $0x50, $0x38;
	[tilespmem:$0x1E100] =	vst v63  }
0x3c: {  	_ =	swait.ge [sflag:s20], $0x50  }
0x3d: {  	s26 =	sshll.u32 s26, $0x4;
	[sflag:s20] =	ssyncset.done $0x0  }
0x3e: {  	s26 =	sadd.s32 s5, s26;
	[sflag:s20] =	ssyncadd.s32 $0xFFFFFFB0  }
0x3f: {  	[tilespmem:s22], [sflag:$0x2] =	stream.linear.gather [hbm4b:s26+s28], $0x2800, $0x38;
	[tilespmem:$0x1E100] =	vst v63  }
0x40: {  	_ =	swait.ge [sflag:s20], $0x2800  }
0x41: {  	[sflag:s20] =	ssyncset.done $0x0  }
0x42: {  	[sflag:s20] =	ssyncadd.s32 $0xFFFFD800  }
0x43: {  	[tilespmem:s24], [sflag:$0x1] =	stream.indirect.gather [hbm4b:s1+s23], $0x80, s28, s23, $0xb8;
	[tilespmem:$0x1E100] =	vst v63  }
0x44: {  	_ =	swait.ge [sflag:s25], $0x2800  }
0x45: {  	[sflag:s25] =	ssyncset.done $0x0  }
0x46: {  	s26 =	simm.s32 $0x0;
	[sflag:s25] =	ssyncadd.s32 $0xFFFFD800  }
0x47: {  	v8 =	vld [tilespmem:s26+$0x100]  }
0x48: {  	v12 =	vld [tilespmem:s26+$0x110]  }
0x49: {  	v6 =	vld [tilespmem:s26+$0x120]  }
0x4a: {  	v5 =	vld [tilespmem:s26+$0x130]  }
0x4b: {  	v4 =	vld [tilespmem:s26+$0x140]  }
0x4c: {  	v3 =	vld [tilespmem:s26+$0x150]  }
0x4d: {  	v2 =	vld [tilespmem:s26+$0x160]  }
0x4e: {  	v1 =	vld [tilespmem:s26+$0x170]  }
0x4f: {  	v13 =	vld [tilespmem:s26+$0x2900]  }
0x50: {  	v14 =	vld [tilespmem:s26+$0x2910]  }
0x51: {  	v11 =	vld [tilespmem:s26+$0x2920]  }
0x52: {  	v10 =	vld [tilespmem:s26+$0x2930]  }
0x53: {  	v9 =	vld [tilespmem:s26+$0x2940]  }
0x54: {  	v7 =	vld [tilespmem:s26+$0x2950];
	v13 =	vmul.f32 v8, v13  }
0x55: {  	s30 =	simm.s32 $0x200;
	v12 =	vmul.f32 v12, v14;
	v8 =	vld [tilespmem:s26+$0x2960]  }
.LBB2_5:
0x56: {  	s31 =	sshra.s32 s30, $0x2;
	p0 =	sne.s32 s30, $0x9E00;
	[tilespmem:s26+$0x2900] =	vst v13;
	v6 =	vmul.f32 v6, v11;
	v11 =	vld [tilespmem:s26+$0x2970]  }
0x57: {  	v13 =	vld [tilespmem:s31+$0x100];
	[tilespmem:s26+$0x2910] =	vst v12;
	v5 =	vmul.f32 v5, v10  }
0x58: {  	v12 =	vld [tilespmem:s31+$0x110];
	[tilespmem:s26+$0x2920] =	vst v6;
	v4 =	vmul.f32 v4, v9  }
0x59: {  	v6 =	vld [tilespmem:s31+$0x120];
	[tilespmem:s26+$0x2930] =	vst v5;
	v3 =	vmul.f32 v3, v7  }
0x5a: {  	v5 =	vld [tilespmem:s31+$0x130];
	[tilespmem:s26+$0x2940] =	vst v4;
	v2 =	vmul.f32 v2, v8  }
0x5b: {  	v4 =	vld [tilespmem:s31+$0x140];
	[tilespmem:s26+$0x2950] =	vst v3;
	v1 =	vmul.f32 v1, v11  }
0x5c: {  	v3 =	vld [tilespmem:s31+$0x150];
	[tilespmem:s26+$0x2960] =	vst v2  }
0x5d: {  	v2 =	vld [tilespmem:s31+$0x160];
	[tilespmem:s26+$0x2970] =	vst v1;
	s26 =	smov.u32 s31  }
0x5e: {  	v1 =	vld [tilespmem:s26+$0x170]  }
0x5f: {  	v7 =	vld [tilespmem:s26+$0x2900]  }
0x60: {  	v8 =	vld [tilespmem:s26+$0x2910]  }
.Ltmp1:
0x61: {  	v11 =	vld [tilespmem:s26+$0x2920];
	(pc) =	sbr.rel @p0 .LBB2_5-.Ltmp1, $4  }
0x62: {  	v10 =	vld [tilespmem:s26+$0x2930]  }
0x63: {  	v9 =	vld [tilespmem:s26+$0x2940]  }
0x64: {  	v13 =	vmul.f32 v13, v7;
	v7 =	vld [tilespmem:s26+$0x2950]  }
0x65: {  	s30 =	sadd.s32 $0x200, s30;
	v12 =	vmul.f32 v12, v8;
	v8 =	vld [tilespmem:s26+$0x2960]  }
0x66: {  	[tilespmem:s26+$0x2900] =	vst v13;
	v6 =	vmul.f32 v6, v11;
	v63 =	vld [tilespmem:s26+$0x2970]  }
0x67: {  	[tilespmem:s26+$0x2910] =	vst v12;
	v5 =	vmul.f32 v5, v10  }
0x68: {  	[tilespmem:s26+$0x2920] =	vst v6;
	v4 =	vmul.f32 v4, v9  }
0x69: {  	[tilespmem:s26+$0x2930] =	vst v5;
	v3 =	vmul.f32 v3, v7  }
0x6a: {  	[tilespmem:s26+$0x2940] =	vst v4;
	v2 =	vmul.f32 v2, v8  }
0x6b: {  	s29 =	sadd.s32 $0x1, s29;
	[tilespmem:s26+$0x2950] =	vst v3;
	v1 =	vmul.f32 v1, v63  }
0x6c: {  	p0 =	sne.s32 s29, $0x7D;
	[tilespmem:s26+$0x2960] =	vst v2  }
.Ltmp2:
0x6d: {  	[tilespmem:s26+$0x2970] =	vst v1;
	(pc) =	sbr.rel @p0 .LBB2_4-.Ltmp2, $4  }
0x6e: {  	[spmem:s2] =	stream.indirect.scatter.add.f32 [tilespmem:s22], [sflag:$0x2], $0x80, s21, s23, $0xb8;
	[tilespmem:$0x1E100] =	vst v63  }
0x6f: {  	_ =	swait.ge [sflag:s20], $0x2800  }
0x70: {  	[sflag:s20] =	ssyncset.done $0x0  }
0x71: {  	s26 =	simm.s32 $0x0;
	[sflag:s20] =	ssyncadd.s32 $0xFFFFD800  }
0x72: {  	s28 =	simm.s32 $0x0  }
.LBB2_8:
0x73: {  	s29 =	smul.u32 $0x50, s28;
	_ =	sdelay $0x1  }
0x74: {  	s29 =	sadd.s32 s16, s29  }
0x75: {  	s30 =	sshrl.u32 s29, $0x3  }
0x76: {  	s31 =	sadd.s32 s9, s30  }
0x77: {  	[tilespmem:s26], [sflag:$0x2] =	stream.linear.gather [hbm4b:s31+s26], $0x50, $0x38;
	[tilespmem:$0x1E100] =	vst v63  }
0x78: {  	_ =	swait.ge [sflag:s20], $0x50  }
0x79: {  	[sflag:s20] =	ssyncset.done $0x0  }
0x7a: {  	s30 =	sadd.s32 s10, s30;
	[sflag:s20] =	ssyncadd.s32 $0xFFFFFFB0  }
0x7b: {  	[tilespmem:s21], [sflag:$0x2] =	stream.linear.gather [hbm4b:s30+s26], $0x50, $0x38;
	[tilespmem:$0x1E100] =	vst v63  }
0x7c: {  	_ =	swait.ge [sflag:s20], $0x50  }
0x7d: {  	s29 =	sshll.u32 s29, $0x4;
	[sflag:s20] =	ssyncset.done $0x0  }
0x7e: {  	s29 =	sadd.s32 s8, s29;
	[sflag:s20] =	ssyncadd.s32 $0xFFFFFFB0  }
0x7f: {  	[tilespmem:s22], [sflag:$0x2] =	stream.linear.gather [hbm4b:s29+s26], $0x2800, $0x38;
	[tilespmem:$0x1E100] =	vst v63  }
0x80: {  	_ =	swait.ge [sflag:s20], $0x2800  }
0x81: {  	[sflag:s20] =	ssyncset.done $0x0  }
0x82: {  	[sflag:s20] =	ssyncadd.s32 $0xFFFFD800  }
0x83: {  	[tilespmem:s24], [sflag:$0x1] =	stream.indirect.gather [hbm4b:s1+s23], $0x80, s26, s23, $0xb8;
	[tilespmem:$0x1E100] =	vst v63  }
0x84: {  	_ =	swait.ge [sflag:s25], $0x2800  }
0x85: {  	[sflag:s25] =	ssyncset.done $0x0  }
0x86: {  	s29 =	simm.s32 $0x0;
	[sflag:s25] =	ssyncadd.s32 $0xFFFFD800  }
0x87: {  	v8 =	vld [tilespmem:s29+$0x100]  }
0x88: {  	v12 =	vld [tilespmem:s29+$0x110]  }
0x89: {  	v6 =	vld [tilespmem:s29+$0x120]  }
0x8a: {  	v5 =	vld [tilespmem:s29+$0x130]  }
0x8b: {  	v4 =	vld [tilespmem:s29+$0x140]  }
0x8c: {  	v3 =	vld [tilespmem:s29+$0x150]  }
0x8d: {  	v2 =	vld [tilespmem:s29+$0x160]  }
0x8e: {  	v1 =	vld [tilespmem:s29+$0x170]  }
0x8f: {  	v13 =	vld [tilespmem:s29+$0x2900]  }
0x90: {  	v14 =	vld [tilespmem:s29+$0x2910]  }
0x91: {  	v11 =	vld [tilespmem:s29+$0x2920]  }
0x92: {  	v10 =	vld [tilespmem:s29+$0x2930]  }
0x93: {  	v9 =	vld [tilespmem:s29+$0x2940]  }
0x94: {  	v7 =	vld [tilespmem:s29+$0x2950];
	v13 =	vmul.f32 v8, v13  }
0x95: {  	s30 =	simm.s32 $0x200;
	v12 =	vmul.f32 v12, v14;
	v8 =	vld [tilespmem:s29+$0x2960]  }
.LBB2_9:
0x96: {  	s31 =	sshra.s32 s30, $0x2;
	p0 =	sne.s32 s30, $0x9E00;
	[tilespmem:s29+$0x2900] =	vst v13;
	v6 =	vmul.f32 v6, v11;
	v11 =	vld [tilespmem:s29+$0x2970]  }
0x97: {  	v13 =	vld [tilespmem:s31+$0x100];
	[tilespmem:s29+$0x2910] =	vst v12;
	v5 =	vmul.f32 v5, v10  }
0x98: {  	v12 =	vld [tilespmem:s31+$0x110];
	[tilespmem:s29+$0x2920] =	vst v6;
	v4 =	vmul.f32 v4, v9  }
0x99: {  	v6 =	vld [tilespmem:s31+$0x120];
	[tilespmem:s29+$0x2930] =	vst v5;
	v3 =	vmul.f32 v3, v7  }
0x9a: {  	v5 =	vld [tilespmem:s31+$0x130];
	[tilespmem:s29+$0x2940] =	vst v4;
	v2 =	vmul.f32 v2, v8  }
0x9b: {  	v4 =	vld [tilespmem:s31+$0x140];
	[tilespmem:s29+$0x2950] =	vst v3;
	v1 =	vmul.f32 v1, v11  }
0x9c: {  	v3 =	vld [tilespmem:s31+$0x150];
	[tilespmem:s29+$0x2960] =	vst v2  }
0x9d: {  	v2 =	vld [tilespmem:s31+$0x160];
	[tilespmem:s29+$0x2970] =	vst v1;
	s29 =	smov.u32 s31  }
0x9e: {  	v1 =	vld [tilespmem:s29+$0x170]  }
0x9f: {  	v7 =	vld [tilespmem:s29+$0x2900]  }
0xa0: {  	v8 =	vld [tilespmem:s29+$0x2910]  }
.Ltmp3:
0xa1: {  	v11 =	vld [tilespmem:s29+$0x2920];
	(pc) =	sbr.rel @p0 .LBB2_9-.Ltmp3, $4  }
0xa2: {  	v10 =	vld [tilespmem:s29+$0x2930]  }
0xa3: {  	v9 =	vld [tilespmem:s29+$0x2940]  }
0xa4: {  	v13 =	vmul.f32 v13, v7;
	v7 =	vld [tilespmem:s29+$0x2950]  }
0xa5: {  	s30 =	sadd.s32 $0x200, s30;
	v12 =	vmul.f32 v12, v8;
	v8 =	vld [tilespmem:s29+$0x2960]  }
0xa6: {  	[tilespmem:s29+$0x2900] =	vst v13;
	v6 =	vmul.f32 v6, v11;
	v63 =	vld [tilespmem:s29+$0x2970]  }
0xa7: {  	[tilespmem:s29+$0x2910] =	vst v12;
	v5 =	vmul.f32 v5, v10  }
0xa8: {  	[tilespmem:s29+$0x2920] =	vst v6;
	v4 =	vmul.f32 v4, v9  }
0xa9: {  	[tilespmem:s29+$0x2930] =	vst v5;
	v3 =	vmul.f32 v3, v7  }
0xaa: {  	[tilespmem:s29+$0x2940] =	vst v4;
	v2 =	vmul.f32 v2, v8  }
0xab: {  	s28 =	sadd.s32 $0x1, s28;
	[tilespmem:s29+$0x2950] =	vst v3;
	v1 =	vmul.f32 v1, v63  }
0xac: {  	p0 =	sne.s32 s28, $0x4;
	[tilespmem:s29+$0x2960] =	vst v2  }
.Ltmp4:
0xad: {  	[tilespmem:s29+$0x2970] =	vst v1;
	(pc) =	sbr.rel @p0 .LBB2_8-.Ltmp4, $4  }
0xae: {  	[spmem:s2] =	stream.indirect.scatter.add.f32 [tilespmem:s22], [sflag:$0x2], $0x80, s21, s23, $0xb8;
	[tilespmem:$0x1E100] =	vst v63  }
0xaf: {  	_ =	swait.ge [sflag:s20], $0x2800  }
0xb0: {  	[sflag:s20] =	ssyncset.done $0x0  }
0xb1: {  	[sflag:s20] =	ssyncadd.s32 $0xFFFFD800  }
0xb2: {  	s4 =	sadd.s32 $0x1, s4  }
0xb3: {  	s26 =	sshll.u32 s3, $0x6;
	[bflag:$0x0] =	sbarrier.arrive $0xFFFF;
	p0 =	sne.s32 s4, s18  }
.Ltmp5:
0xb4: {  	s28 =	sshrl.u32 s11, $0x3;
	s26 =	sor.u32 $0x1C02, s26;
	(pc) =	sbr.rel @p0 .LBB2_1-.Ltmp5, $4  }
0xb5: {  	[hbm:s17], [sflag:s26] =	dma.local [spmem:s28], $0x2800  }
0xb6: {  	_ =	swait.ge [sflag:s20], $0x2800  }
0xb7: {  	[sflag:s20] =	ssyncset.done $0x0  }
0xb8: {  	[sflag:s20] =	ssyncadd.s32 $0xFFFFD800  }
0xb9: {  	_ =	sfence.sel $0x180000  }
0xba: {  	[bflag:$0x0] =	sbarrier.arrive $0xFFFF  }
0xbb: {  	p0 =	sne.s32 s3, $0x0;
	_ =	strace $0x90000047  }
0xbc: {  	s0 =	sadd.s32 @!p0 $0x100000, s0;
	[bflag:$0x2] =	sbarrier.arrive $0xFFFF  }
0xbd: {  	[sflag:s0] =	ssyncadd.tile.s32 @!p0 $0x1;
	_ =	shalt  }
.Lfunc_end2:
_tile_overlayer_lowered:
.L_overlay_start_2:
0xbe: {  	(tag) =	ssettag $0x2  }
0xbf: {  	s0 =	rddreg [dreg:$0x0];
	s2 =	stileid.u32  }
0xc0: {  	s1 =	rddreg [dreg:$0x1];
	p0 =	sne.s32 s2, $0x0  }
0xc1: {  	s3 =	rddreg [dreg:$0x2];
	[bflag:$0x3] =	sbarrier.arrive $0xFFFF;
	s2 =	simm.s32 @!p0 $0x1C02  }
0xc2: {  	[timem:s3], [sflag:s2] =	dma.local @!p0 [hbm:s0], s1  }
0xc3: {  	s0 =	simm.s32 @!p0 $0x2  }
0xc4: {  	_ =	swait.ge @!p0 [sflag:s0], s1  }
0xc5: {  	s1 =	ssub.s32 @!p0 $0x0, s1;
	[sflag:s0] =	ssyncset.done @!p0 $0x0  }
0xc6: {  	[sflag:s0] =	ssyncadd.s32 @!p0 s1  }
0xc7: {  	[bflag:$0x3] =	sbarrier.arrive $0xFFFF  }
0xc8: {  	_ =	shalt  }

</sc_bundles>
